<compile_context>
chip_gen: v7x
topology: tpu7x:2x2x1
jax: 0.10.2.dev20260603
libtpu: 0.0.44.dev20260713+nightly
codegen_flags: <defaults>
</compile_context>

<pallas_src>
import functools
import jax
import jax.numpy as jnp
from jax.experimental import pallas as pl
from jax.experimental.pallas import tpu as pltpu
from jax.experimental.pallas import tpu_sc as plsc

_NE, _NQ, _NC = 3, 100, 92
_B, _H, _W = 16, 512, 512
_QT = 1152
_NT = 8



def _conv_body(x_ref, d4_ref, wg_ref, cb_ref, pmp_ref, pw_ref, rf_ref, feat_ref, s4_ref):
    xb = x_ref[0].reshape(1536, 512)
    hi = xb.astype(jnp.bfloat16)
    lo = (xb - hi.astype(jnp.float32)).astype(jnp.bfloat16)
    d4 = d4_ref[...]
    xd = (jax.lax.dot_general(hi, d4, (((1,), (0,)), ((), ())),
                              preferred_element_type=jnp.float32)
          + jax.lax.dot_general(lo, d4, (((1,), (0,)), ((), ())),
                                preferred_element_type=jnp.float32))
    for f in range(4):
        s4_ref[f] = xd[:, 128 * f:128 * (f + 1)]

    planes = []
    facc = [None, None, None]
    for e in range(4):
        for c in range(3):
            for f in range(4):
                p = s4_ref[f, pl.Slice(512 * c + e, 128, 4), :]
                planes.append(p[None])
                facc[c] = p if facc[c] is None else facc[c] + p
    sp = jnp.concatenate(planes, axis=0)
    s = sp.reshape(48, 128 * 128)

    r4 = jax.lax.dot_general(wg_ref[...], s, (((1,), (0,)), ((), ())),
                             preferred_element_type=jnp.float32)
    h = cb_ref[...] * jnp.ones((32, 16384), jnp.float32)
    lane = jax.lax.broadcasted_iota(jnp.int32, (1, 16384), 1)
    edge = ((lane & 127) != 0).astype(jnp.float32)
    gi = 0
    for dy in (-1, 0):
        for dx in (-1, 0):
            hg = r4[32 * gi:32 * (gi + 1)]
            sft = -(128 * dy + dx)
            if sft:
                hg = jnp.pad(hg, ((0, 0), (sft, 0)))[:, :16384]
            if dx == -1:
                hg = hg * edge
            h = h + hg
            gi += 1
    h = jnp.maximum(h, 0.0)
    pooled = jax.lax.dot_general(h, pmp_ref[...], (((1,), (0,)), ((), ())),
                                 preferred_element_type=jnp.float32)
    rf_ref[...] = pooled[None]

    frs = []
    for c in range(3):
        frs.append(facc[c].reshape(16, 8, 128).sum(axis=1))
    fr = jnp.concatenate(frs, axis=0)
    fq = jax.lax.dot_general(fr, pw_ref[...], (((1,), (0,)), ((), ())),
                             preferred_element_type=jnp.float32)
    feat_ref[...] = fq[None]



def _router_body(rf_ref, w1_ref, b1_ref, w2_ref, b2_ref, w3_ref, b3_ref,
                 probs_ref, rlt_ref):
    h = jnp.maximum(jnp.dot(rf_ref[...], w1_ref[...],
                            preferred_element_type=jnp.float32) + b1_ref[...], 0.0)
    h = jnp.maximum(jnp.dot(h, w2_ref[...],
                            preferred_element_type=jnp.float32) + b2_ref[...], 0.0)
    logits = jnp.dot(h, w3_ref[...], preferred_element_type=jnp.float32) + b3_ref[...]
    m = jnp.max(logits, axis=1, keepdims=True)
    ex = jnp.exp(logits - m)
    probs_ref[...] = ex / jnp.sum(ex, axis=1, keepdims=True)
    rlt_ref[...] = logits.T



def _sc_route(rlt_hbm, choice_hbm, oh_hbm, l_v, c_v, oh_v):
    wid = jax.lax.axis_index("s") * 2 + jax.lax.axis_index("c")

    @pl.when(wid == 0)
    def _():
        pltpu.sync_copy(rlt_hbm, l_v)
        l0 = l_v[0, :]
        l1 = l_v[1, :]
        l2 = l_v[2, :]
        z = jnp.zeros((16,), jnp.int32)
        c01 = l0 >= l1
        m01 = jnp.where(c01, l0, l1)
        i01 = jnp.where(c01, z, z + 1)
        choice = jnp.where(m01 >= l2, i01, z + 2)
        c_v[...] = choice
        one = jnp.ones((16,), jnp.float32)
        zf = jnp.zeros((16,), jnp.float32)
        oh_v[0, :] = jnp.where(choice == 0, one, zf)
        oh_v[1, :] = jnp.where(choice == 1, one, zf)
        oh_v[2, :] = jnp.where(choice == 2, one, zf)
        pltpu.sync_copy(c_v, choice_hbm)
        pltpu.sync_copy(oh_v, oh_hbm)



def _expert_body(feat_ref, oh_ref, wc_ref, wb_ref, out_ref, bx_ref, fm_ref):
    i = pl.program_id(0)

    @pl.when(i == 0)
    def _masks():
        feat = feat_ref[...]
        ri = jax.lax.broadcasted_iota(jnp.int32, (16, 16), 0)
        ci = jax.lax.broadcasted_iota(jnp.int32, (16, 16), 1)
        eye = (ri == ci).astype(jnp.float32)
        for ee in range(3):
            dm = eye * oh_ref[ee:ee + 1, :]
            fm_ref[:, 768 * ee:768 * (ee + 1)] = jnp.dot(
                dm, feat, preferred_element_type=jnp.float32)

    fm = fm_ref[...]
    out_ref[...] = jnp.dot(fm, wc_ref[...], preferred_element_type=jnp.float32)

    @pl.when(i == _NT - 1)
    def _boxes():
        bx_ref[...] = jax.nn.sigmoid(
            jnp.dot(fm, wb_ref[...], preferred_element_type=jnp.float32))


def _pool_matrix():
    r = jax.lax.broadcasted_iota(jnp.int32, (16384, 16), 0)
    cidx = jax.lax.broadcasted_iota(jnp.int32, (16384, 16), 1)
    blk = ((r // 128) // 32) * 4 + ((r % 128) // 32)
    return jnp.where(blk == cidx, 1.0 / 1024.0, 0.0).astype(jnp.float32)


def kernel(pixel_values, conv_w, conv_b, fc1_w, fc1_b, fc2_w, fc2_b, fc3_w, fc3_b, Wc, Wb):
    x4 = pixel_values
    wi = jax.lax.broadcasted_iota(jnp.int32, (512, 512), 0)
    co = jax.lax.broadcasted_iota(jnp.int32, (512, 512), 1)
    d4 = jnp.where(wi == 4 * (co % 128) + co // 128, 1.0, 0.0).astype(jnp.bfloat16)
    cwp = jnp.pad(conv_w, ((0, 0), (0, 0), (1, 0), (1, 0)))
    wgs = []
    for dy in (-1, 0):
        for dx in (-1, 0):
            w = cwp[:, :, 4 * dy + 4:4 * dy + 8, 4 * dx + 4:4 * dx + 8]
            wgs.append(w.transpose(0, 2, 1, 3).reshape(32, 48))
    wg = jnp.concatenate(wgs, axis=0)
    pmp = _pool_matrix()
    pw = jnp.where(
        (jax.lax.broadcasted_iota(jnp.int32, (128, 16), 0) // 8)
        == jax.lax.broadcasted_iota(jnp.int32, (128, 16), 1),
        1.0 / 1024.0, 0.0).astype(jnp.float32)

    rf3, feat3 = pl.pallas_call(
        _conv_body,
        grid=(_B,),
        in_specs=[
            pl.BlockSpec((1, 3, 512, 512), lambda b: (b, 0, 0, 0)),
            pl.BlockSpec((512, 512), lambda b: (0, 0)),
            pl.BlockSpec((128, 48), lambda b: (0, 0)),
            pl.BlockSpec((32, 1), lambda b: (0, 0)),
            pl.BlockSpec((16384, 16), lambda b: (0, 0)),
            pl.BlockSpec((128, 16), lambda b: (0, 0)),
        ],
        out_specs=[
            pl.BlockSpec((1, 32, 16), lambda b: (b, 0, 0)),
            pl.BlockSpec((1, 48, 16), lambda b: (b, 0, 0)),
        ],
        out_shape=[
            jax.ShapeDtypeStruct((_B, 32, 16), jnp.float32),
            jax.ShapeDtypeStruct((_B, 48, 16), jnp.float32),
        ],
        scratch_shapes=[
            pltpu.VMEM((4, 1536, 128), jnp.float32),
        ],
    )(x4, d4, wg, conv_b.reshape(32, 1), pmp, pw)
    rf = rf3.reshape(_B, 512)
    feat = feat3.reshape(_B, 768)

    routing_probs, rlt = pl.pallas_call(
        _router_body,
        out_shape=(jax.ShapeDtypeStruct((_B, _NE), jnp.float32),
                   jax.ShapeDtypeStruct((_NE, _B), jnp.float32)),
    )(rf, fc1_w, fc1_b.reshape(1, 128), fc2_w, fc2_b.reshape(1, 32),
      fc3_w, fc3_b.reshape(1, _NE))

    sc_route = functools.partial(
        pl.kernel,
        out_type=[
            jax.ShapeDtypeStruct((_B,), jnp.int32),
            jax.ShapeDtypeStruct((_NE, _B), jnp.float32),
        ],
        mesh=plsc.VectorSubcoreMesh(core_axis_name="c", subcore_axis_name="s"),
        scratch_types=[
            pltpu.VMEM((_NE, _B), jnp.float32),
            pltpu.VMEM((_B,), jnp.int32),
            pltpu.VMEM((_NE, _B), jnp.float32),
        ],
    )(_sc_route)
    expert_choices, oh = sc_route(rlt)

    batch_logits, batch_boxes = pl.pallas_call(
        _expert_body,
        grid=(_NT,),
        in_specs=[
            pl.BlockSpec((_B, 768), lambda i: (0, 0)),
            pl.BlockSpec((_NE, _B), lambda i: (0, 0)),
            pl.BlockSpec((2304, _QT), lambda i: (0, i)),
            pl.BlockSpec((2304, 400), lambda i: (0, 0)),
        ],
        out_specs=[
            pl.BlockSpec((_B, _QT), lambda i: (0, i)),
            pl.BlockSpec((_B, 400), lambda i: (0, 0)),
        ],
        out_shape=[
            jax.ShapeDtypeStruct((_B, 9200), jnp.float32),
            jax.ShapeDtypeStruct((_B, 400), jnp.float32),
        ],
        scratch_shapes=[pltpu.VMEM((_B, 2304), jnp.float32)],
    )(feat, oh, Wc.reshape(2304, 9200), Wb.reshape(2304, 400))

    return (batch_logits.reshape(_B, _NQ, _NC),
            batch_boxes.reshape(_B, _NQ, 4),
            routing_probs,
            expert_choices)

# --- scband reference (transcript-rebuilt; emitter-appended) ---
"""Pipeline reference for scband-image-router-mo-e-77369540870580 (READ-ONLY COPY).

The authoritative reference and input builder live on the scoring server;
editing this copy changes nothing except your own understanding.
"""

import jax, jax.numpy as jnp
import numpy as np

NUM_EXPERTS = 3
NUM_QUERIES = 100
NUM_CLASSES = 92
B, C, H, W = 16, 3, 512, 512

def setup_inputs(seed: int = 0) -> dict:
    key = jax.random.key(seed)
    ks = jax.random.split(key, 12)
    pixel_values = jax.random.normal(ks[0], (B, C, H, W), dtype=jnp.float32)
    # router params (trainable)
    conv_w = jax.random.normal(ks[1], (32, 3, 7, 7), dtype=jnp.float32) * (2.0 / (32 * 49)) ** 0.5
    conv_b = jnp.zeros((32,), dtype=jnp.float32)
    fc1_w = jax.random.normal(ks[2], (512, 128), dtype=jnp.float32) * (6.0 / (512 + 128)) ** 0.5
    fc1_b = jnp.zeros((128,), dtype=jnp.float32)
    fc2_w = jax.random.normal(ks[3], (128, 32), dtype=jnp.float32) * (6.0 / (128 + 32)) ** 0.5
    fc2_b = jnp.zeros((32,), dtype=jnp.float32)
    fc3_w = jax.random.normal(ks[4], (32, NUM_EXPERTS), dtype=jnp.float32) * (6.0 / (32 + NUM_EXPERTS)) ** 0.5
    fc3_b = jnp.zeros((NUM_EXPERTS,), dtype=jnp.float32)
    # frozen expert detection heads (stand-in for YOLOS experts): patch-pooled feat -> logits/pred_boxes
    Wc = jax.random.normal(ks[5], (NUM_EXPERTS, 768, NUM_QUERIES * NUM_CLASSES), dtype=jnp.float32) * 0.02
    Wb = jax.random.normal(ks[6], (NUM_EXPERTS, 768, NUM_QUERIES * 4), dtype=jnp.float32) * 0.02
    return {"pixel_values": pixel_values, "conv_w": conv_w, "conv_b": conv_b,
            "fc1_w": fc1_w, "fc1_b": fc1_b, "fc2_w": fc2_w, "fc2_b": fc2_b,
            "fc3_w": fc3_w, "fc3_b": fc3_b, "Wc": Wc, "Wb": Wb}

def reference(pixel_values, conv_w, conv_b, fc1_w, fc1_b, fc2_w, fc2_b, fc3_w, fc3_b, Wc, Wb):
    Bb = pixel_values.shape[0]
    # router: Conv2d(3,32,7,stride=4,pad=3) -> ReLU -> AdaptiveAvgPool2d(4) -> Flatten -> MLP
    h = jax.lax.conv_general_dilated(pixel_values, conv_w, window_strides=(4, 4),
                                     padding=((3, 3), (3, 3)),
                                     dimension_numbers=("NCHW", "OIHW", "NCHW"))
    h = h + conv_b[None, :, None, None]
    h = jax.nn.relu(h)
    _, Cc, Hh, Ww = h.shape
    h = h.reshape(Bb, Cc, 4, Hh // 4, 4, Ww // 4).mean(axis=(3, 5))  # adaptive avg pool to 4x4
    h = h.reshape(Bb, -1)  # flatten (NCHW order, matches torch)
    h = jax.nn.relu(h @ fc1_w + fc1_b)
    # dropout is identity in eval
    h = jax.nn.relu(h @ fc2_w + fc2_b)
    routing_logits = h @ fc3_w + fc3_b
    routing_probs = jax.nn.softmax(routing_logits, axis=1)
    expert_choices = jnp.argmax(routing_probs, axis=1)
    # frozen experts under no_grad: compute each expert on the full batch, then
    # per-sample select the chosen expert's output (math-equivalent to torch grouping)
    pv = jax.lax.stop_gradient(pixel_values)
    feat = pv.reshape(Bb, 3, 16, H // 16, 16, W // 16).mean(axis=(3, 5)).reshape(Bb, -1)  # [B,768]
    all_logits = jnp.einsum("bd,edq->ebq", feat, Wc).reshape(NUM_EXPERTS, Bb, NUM_QUERIES, NUM_CLASSES)
    all_boxes = jax.nn.sigmoid(jnp.einsum("bd,edq->ebq", feat, Wb)).reshape(NUM_EXPERTS, Bb, NUM_QUERIES, 4)
    all_logits = jax.lax.stop_gradient(all_logits)
    all_boxes = jax.lax.stop_gradient(all_boxes)
    ar = jnp.arange(Bb)
    batch_logits = all_logits[expert_choices, ar]      # [B, num_queries, num_classes]
    batch_pred_boxes = all_boxes[expert_choices, ar]   # [B, num_queries, 4]
    return (batch_logits, batch_pred_boxes, routing_probs, expert_choices)

if __name__ == "__main__":
    import jax
    _d = setup_inputs()
    print(jax.jit(kernel)(*tuple(_d.values())))

</pallas_src>

<mosaic_0001>
#map = affine_map<(d0, d1) -> (0, 0)>
#map1 = affine_map<(d0, d1) -> (0)>
module attributes {stable_mosaic.version = 14 : i64} {
  func.func @_sc_route(%arg0: i32, %arg1: i32, %arg2: memref<3x16xf32, #tpu.memory_space<hbm>>, %arg3: memref<16xi32, #tpu.memory_space<hbm>>, %arg4: memref<3x16xf32, #tpu.memory_space<hbm>>, %arg5: memref<3x16xf32, #tpu.memory_space<vmem>>, %arg6: memref<16xi32, #tpu.memory_space<vmem>>, %arg7: memref<3x16xf32, #tpu.memory_space<vmem>>) attributes {dimension_semantics = [#tpu.dimension_semantics<core_parallel>, #tpu.dimension_semantics<subcore_parallel>], iteration_bounds = array<i64: 2, 16>, scalar_prefetch = 0 : i64, scratch_operands = 3 : i64, tpu.core_type = #tpu.core_type<sc_vector_subcore>, window_params = [{transform_indices = #map}, {transform_indices = #map1}, {transform_indices = #map}]} {
    %mul3A = arith.constant 2 : i32
    %mul3A_0 = arith.muli %arg1, %mul3A : i32
    %add3A = arith.addi %mul3A_0, %arg0 : i32
    %eq3A = arith.constant 0 : i32
    %eq3A_1 = arith.cmpi eq, %add3A, %eq3A : i32
    %convert_element_type3A = arith.extui %eq3A_1 : i1 to i32
    %cond3A = arith.constant 0 : i32
    %cond3A_2 = arith.cmpi ne, %convert_element_type3A, %cond3A : i32
    scf.if %cond3A_2 {
      "tpu.region"() ({
        %run_scoped3A = tpu.sem_alloc : memref<!tpu.dma_semaphore, #tpu.memory_space<semaphore_mem>>
        tpu.enqueue_dma source(%arg2 : memref<3x16xf32, #tpu.memory_space<hbm>>) target(%arg5 : memref<3x16xf32, #tpu.memory_space<vmem>>) target_semaphore(%run_scoped3A : memref<!tpu.dma_semaphore, #tpu.memory_space<semaphore_mem>>)
        tpu.wait_dma2 semaphore(%run_scoped3A : memref<!tpu.dma_semaphore, #tpu.memory_space<semaphore_mem>>) src(%arg2 : memref<3x16xf32, #tpu.memory_space<hbm>>) dst(%arg5 : memref<3x16xf32, #tpu.memory_space<vmem>>)
        tpu.yield
      }) : () -> ()
      %get3A = arith.constant 0 : i32
      %get3A_3 = arith.index_cast %get3A : i32 to index
      %get3A_4 = arith.constant 0 : index
      %get3A_5 = tpu.vector_load %arg5[%get3A_3, %get3A_4] {strides = array<i32>} : memref<3x16xf32, #tpu.memory_space<vmem>>, vector<1x16xf32>,
      %get3A_6 = vector.shape_cast %get3A_5 : vector<1x16xf32> to vector<16xf32>
      %get3A_7 = arith.constant 1 : i32
      %get3A_8 = arith.index_cast %get3A_7 : i32 to index
      %get3A_9 = arith.constant 0 : index
      %get3A_10 = tpu.vector_load %arg5[%get3A_8, %get3A_9] {strides = array<i32>} : memref<3x16xf32, #tpu.memory_space<vmem>>, vector<1x16xf32>,
      %get3A_11 = vector.shape_cast %get3A_10 : vector<1x16xf32> to vector<16xf32>
      %get3A_12 = arith.constant 2 : i32
      %get3A_13 = arith.index_cast %get3A_12 : i32 to index
      %get3A_14 = arith.constant 0 : index
      %get3A_15 = tpu.vector_load %arg5[%get3A_13, %get3A_14] {strides = array<i32>} : memref<3x16xf32, #tpu.memory_space<vmem>>, vector<1x16xf32>,
      %get3A_16 = vector.shape_cast %get3A_15 : vector<1x16xf32> to vector<16xf32>
      %broadcast_in_dim3A = arith.constant 0 : i32
      %broadcast_in_dim3A_17 = vector.broadcast %broadcast_in_dim3A : i32 to vector<16xi32>
      %ge3A = arith.cmpf oge, %get3A_6, %get3A_11 : vector<16xf32>
      %select_n3A = arith.select %ge3A, %get3A_6, %get3A_11 : vector<16xi1>, vector<16xf32>
      %add3A_18 = arith.constant 1 : i32
      %add3A_19 = vector.broadcast %add3A_18 : i32 to vector<16xi32>
      %add3A_20 = arith.addi %broadcast_in_dim3A_17, %add3A_19 : vector<16xi32>
      %select_n3A_21 = arith.select %ge3A, %broadcast_in_dim3A_17, %add3A_20 : vector<16xi1>, vector<16xi32>
      %ge3A_22 = arith.cmpf oge, %select_n3A, %get3A_16 : vector<16xf32>
      %add3A_23 = arith.constant 2 : i32
      %add3A_24 = vector.broadcast %add3A_23 : i32 to vector<16xi32>
      %add3A_25 = arith.addi %broadcast_in_dim3A_17, %add3A_24 : vector<16xi32>
      %select_n3A_26 = arith.select %ge3A_22, %select_n3A_21, %add3A_25 : vector<16xi1>, vector<16xi32>
      %swap3A = arith.constant 0 : index
      %swap3A_27 = tpu.vector_load %arg6[%swap3A] {strides = array<i32>} : memref<16xi32, #tpu.memory_space<vmem>>, vector<16xi32>,
      %swap3A_28 = vector.shape_cast %swap3A_27 : vector<16xi32> to vector<16xi32>
      %swap3A_29 = vector.shape_cast %select_n3A_26 : vector<16xi32> to vector<16xi32>
      tpu.vector_store %arg6[%swap3A], %swap3A_29 {strides = array<i32>} : memref<16xi32, #tpu.memory_space<vmem>>, vector<16xi32>,
      %broadcast_in_dim3A_30 = arith.constant 1.000000e+00 : f32
      %broadcast_in_dim3A_31 = vector.broadcast %broadcast_in_dim3A_30 : f32 to vector<16xf32>
      %broadcast_in_dim3A_32 = arith.constant 0.000000e+00 : f32
      %broadcast_in_dim3A_33 = vector.broadcast %broadcast_in_dim3A_32 : f32 to vector<16xf32>
      %eq3A_34 = arith.constant 0 : i32
      %eq3A_35 = vector.broadcast %eq3A_34 : i32 to vector<16xi32>
      %eq3A_36 = arith.cmpi eq, %select_n3A_26, %eq3A_35 : vector<16xi32>
      %select_n3A_37 = arith.select %eq3A_36, %broadcast_in_dim3A_31, %broadcast_in_dim3A_33 : vector<16xi1>, vector<16xf32>
      %swap3A_38 = arith.constant 0 : i32
      %swap3A_39 = arith.index_cast %swap3A_38 : i32 to index
      %swap3A_40 = arith.constant 0 : index
      %swap3A_41 = tpu.vector_load %arg7[%swap3A_39, %swap3A_40] {strides = array<i32>} : memref<3x16xf32, #tpu.memory_space<vmem>>, vector<1x16xf32>,
      %swap3A_42 = vector.shape_cast %swap3A_41 : vector<1x16xf32> to vector<16xf32>
      %swap3A_43 = vector.shape_cast %select_n3A_37 : vector<16xf32> to vector<1x16xf32>
      tpu.vector_store %arg7[%swap3A_39, %swap3A_40], %swap3A_43 {strides = array<i32>} : memref<3x16xf32, #tpu.memory_space<vmem>>, vector<1x16xf32>,
      %eq3A_44 = arith.constant 1 : i32
      %eq3A_45 = vector.broadcast %eq3A_44 : i32 to vector<16xi32>
      %eq3A_46 = arith.cmpi eq, %select_n3A_26, %eq3A_45 : vector<16xi32>
      %select_n3A_47 = arith.select %eq3A_46, %broadcast_in_dim3A_31, %broadcast_in_dim3A_33 : vector<16xi1>, vector<16xf32>
      %swap3A_48 = arith.constant 1 : i32
      %swap3A_49 = arith.index_cast %swap3A_48 : i32 to index
      %swap3A_50 = arith.constant 0 : index
      %swap3A_51 = tpu.vector_load %arg7[%swap3A_49, %swap3A_50] {strides = array<i32>} : memref<3x16xf32, #tpu.memory_space<vmem>>, vector<1x16xf32>,
      %swap3A_52 = vector.shape_cast %swap3A_51 : vector<1x16xf32> to vector<16xf32>
      %swap3A_53 = vector.shape_cast %select_n3A_47 : vector<16xf32> to vector<1x16xf32>
      tpu.vector_store %arg7[%swap3A_49, %swap3A_50], %swap3A_53 {strides = array<i32>} : memref<3x16xf32, #tpu.memory_space<vmem>>, vector<1x16xf32>,
      %eq3A_54 = arith.constant 2 : i32
      %eq3A_55 = vector.broadcast %eq3A_54 : i32 to vector<16xi32>
      %eq3A_56 = arith.cmpi eq, %select_n3A_26, %eq3A_55 : vector<16xi32>
      %select_n3A_57 = arith.select %eq3A_56, %broadcast_in_dim3A_31, %broadcast_in_dim3A_33 : vector<16xi1>, vector<16xf32>
      %swap3A_58 = arith.constant 2 : i32
      %swap3A_59 = arith.index_cast %swap3A_58 : i32 to index
      %swap3A_60 = arith.constant 0 : index
      %swap3A_61 = tpu.vector_load %arg7[%swap3A_59, %swap3A_60] {strides = array<i32>} : memref<3x16xf32, #tpu.memory_space<vmem>>, vector<1x16xf32>,
      %swap3A_62 = vector.shape_cast %swap3A_61 : vector<1x16xf32> to vector<16xf32>
      %swap3A_63 = vector.shape_cast %select_n3A_57 : vector<16xf32> to vector<1x16xf32>
      tpu.vector_store %arg7[%swap3A_59, %swap3A_60], %swap3A_63 {strides = array<i32>} : memref<3x16xf32, #tpu.memory_space<vmem>>, vector<1x16xf32>,
      "tpu.region"() ({
        %run_scoped3A = tpu.sem_alloc : memref<!tpu.dma_semaphore, #tpu.memory_space<semaphore_mem>>
        tpu.enqueue_dma source(%arg6 : memref<16xi32, #tpu.memory_space<vmem>>) target(%arg3 : memref<16xi32, #tpu.memory_space<hbm>>) target_semaphore(%run_scoped3A : memref<!tpu.dma_semaphore, #tpu.memory_space<semaphore_mem>>)
        tpu.wait_dma2 semaphore(%run_scoped3A : memref<!tpu.dma_semaphore, #tpu.memory_space<semaphore_mem>>) src(%arg6 : memref<16xi32, #tpu.memory_space<vmem>>) dst(%arg3 : memref<16xi32, #tpu.memory_space<hbm>>)
        tpu.yield
      }) : () -> ()
      "tpu.region"() ({
        %run_scoped3A = tpu.sem_alloc : memref<!tpu.dma_semaphore, #tpu.memory_space<semaphore_mem>>
        tpu.enqueue_dma source(%arg7 : memref<3x16xf32, #tpu.memory_space<vmem>>) target(%arg4 : memref<3x16xf32, #tpu.memory_space<hbm>>) target_semaphore(%run_scoped3A : memref<!tpu.dma_semaphore, #tpu.memory_space<semaphore_mem>>)
        tpu.wait_dma2 semaphore(%run_scoped3A : memref<!tpu.dma_semaphore, #tpu.memory_space<semaphore_mem>>) src(%arg7 : memref<3x16xf32, #tpu.memory_space<vmem>>) dst(%arg4 : memref<3x16xf32, #tpu.memory_space<hbm>>)
        tpu.yield
      }) : () -> ()
    } else {
    }
    return
  }
}

module attributes {stable_mosaic.version = 14 : i64} {
  func.func @_conv_body(%arg0: i32, %arg1: memref<1x3x512x512xf32, #tpu.memory_space<vmem>>, %arg2: memref<512x512xbf16, #tpu.memory_space<vmem>>, %arg3: memref<128x48xf32, #tpu.memory_space<vmem>>, %arg4: memref<32x1xf32, #tpu.memory_space<vmem>>, %arg5: memref<16384x16xf32, #tpu.memory_space<vmem>>, %arg6: memref<128x16xf32, #tpu.memory_space<vmem>>, %arg7: memref<1x32x16xf32, #tpu.memory_space<vmem>>, %arg8: memref<1x48x16xf32, #tpu.memory_space<vmem>>, %arg9: memref<4x1536x128xf32, #tpu.memory_space<vmem>>) attributes {dimension_semantics = [#tpu.dimension_semantics<arbitrary>], iteration_bounds = array<i64: 16>, scalar_prefetch = 0 : i64, scratch_operands = 1 : i64, tpu.core_type = #tpu.core_type<tc>, window_params = [{transform_indices = @transform_0, window_bounds = array<i64: 1, 3, 512, 512>}, {pipeline_mode = #tpu.pipeline_mode<synchronous>, transform_indices = @transform_1, window_bounds = array<i64: 512, 512>}, {pipeline_mode = #tpu.pipeline_mode<synchronous>, transform_indices = @transform_2, window_bounds = array<i64: 128, 48>}, {pipeline_mode = #tpu.pipeline_mode<synchronous>, transform_indices = @transform_3, window_bounds = array<i64: 32, 1>}, {pipeline_mode = #tpu.pipeline_mode<synchronous>, transform_indices = @transform_4, window_bounds = array<i64: 16384, 16>}, {pipeline_mode = #tpu.pipeline_mode<synchronous>, transform_indices = @transform_5, window_bounds = array<i64: 128, 16>}, {transform_indices = @transform_6, window_bounds = array<i64: 1, 32, 16>}, {transform_indices = @transform_7, window_bounds = array<i64: 1, 48, 16>}]} {
    %get3A = arith.constant 0 : index
    %get3A_0 = arith.constant 0 : index
    %get3A_1 = arith.constant 0 : index
    %get3A_2 = arith.constant 0 : index
    %get3A_3 = vector.load %arg1[%get3A, %get3A_0, %get3A_1, %get3A_2] : memref<1x3x512x512xf32, #tpu.memory_space<vmem>>, vector<1x3x512x512xf32>
    %get3A_4 = vector.shape_cast %get3A_3 : vector<1x3x512x512xf32> to vector<3x512x512xf32>
    %reshape3A = vector.shape_cast %get3A_4 : vector<3x512x512xf32> to vector<1536x512xf32>
    %convert_element_type3A = arith.truncf %reshape3A : vector<1536x512xf32> to vector<1536x512xbf16>
    %convert_element_type3A_5 = arith.extf %convert_element_type3A : vector<1536x512xbf16> to vector<1536x512xf32>
    %sub3A = arith.subf %reshape3A, %convert_element_type3A_5 : vector<1536x512xf32>
    %convert_element_type3A_6 = arith.truncf %sub3A : vector<1536x512xf32> to vector<1536x512xbf16>
    %get3A_7 = arith.constant 0 : index
    %get3A_8 = arith.constant 0 : index
    %get3A_9 = vector.load %arg2[%get3A_7, %get3A_8] : memref<512x512xbf16, #tpu.memory_space<vmem>>, vector<512x512xbf16>
    %dot_general3A = arith.constant dense<0.000000e+00> : vector<1536x512xf32>
    %dot_general3A_10 = tpu.matmul %convert_element_type3A, %get3A_9, %dot_general3A {dimension_numbers = #tpu.dot_dimension_numbers<[1], [0], [0], [1], [0, 0, 1, 1], [], []>, transpose_lhs_hint = false} : vector<1536x512xbf16>, vector<512x512xbf16>, vector<1536x512xf32> -> vector<1536x512xf32>
    %dot_general3A_11 = arith.constant dense<0.000000e+00> : vector<1536x512xf32>
    %dot_general3A_12 = tpu.matmul %convert_element_type3A_6, %get3A_9, %dot_general3A_11 {dimension_numbers = #tpu.dot_dimension_numbers<[1], [0], [0], [1], [0, 0, 1, 1], [], []>, transpose_lhs_hint = false} : vector<1536x512xbf16>, vector<512x512xbf16>, vector<1536x512xf32> -> vector<1536x512xf32>
    %add3A = arith.addf %dot_general3A_10, %dot_general3A_12 : vector<1536x512xf32>
    %slice3A = vector.extract_strided_slice %add3A {offsets = [0, 0], sizes = [1536, 128], strides = [1, 1]} : vector<1536x512xf32> to vector<1536x128xf32>
    %swap3A = arith.constant 0 : index
    %swap3A_13 = arith.constant 0 : index
    %swap3A_14 = arith.constant 0 : index
    %swap3A_15 = vector.load %arg9[%swap3A, %swap3A_13, %swap3A_14] : memref<4x1536x128xf32, #tpu.memory_space<vmem>>, vector<1x1536x128xf32>
    %swap3A_16 = vector.shape_cast %swap3A_15 : vector<1x1536x128xf32> to vector<1536x128xf32>
    %swap3A_17 = vector.shape_cast %slice3A : vector<1536x128xf32> to vector<1x1536x128xf32>
    tpu.vector_store %arg9[%swap3A, %swap3A_13, %swap3A_14], %swap3A_17 {strides = array<i32>} : memref<4x1536x128xf32, #tpu.memory_space<vmem>>, vector<1x1536x128xf32>,
    %slice3A_18 = vector.extract_strided_slice %add3A {offsets = [0, 128], sizes = [1536, 128], strides = [1, 1]} : vector<1536x512xf32> to vector<1536x128xf32>
    %swap3A_19 = arith.constant 1 : index
    %swap3A_20 = arith.constant 0 : index
    %swap3A_21 = arith.constant 0 : index
    %swap3A_22 = vector.load %arg9[%swap3A_19, %swap3A_20, %swap3A_21] : memref<4x1536x128xf32, #tpu.memory_space<vmem>>, vector<1x1536x128xf32>
    %swap3A_23 = vector.shape_cast %swap3A_22 : vector<1x1536x128xf32> to vector<1536x128xf32>
    %swap3A_24 = vector.shape_cast %slice3A_18 : vector<1536x128xf32> to vector<1x1536x128xf32>
    tpu.vector_store %arg9[%swap3A_19, %swap3A_20, %swap3A_21], %swap3A_24 {strides = array<i32>} : memref<4x1536x128xf32, #tpu.memory_space<vmem>>, vector<1x1536x128xf32>,
    %slice3A_25 = vector.extract_strided_slice %add3A {offsets = [0, 256], sizes = [1536, 128], strides = [1, 1]} : vector<1536x512xf32> to vector<1536x128xf32>
    %swap3A_26 = arith.constant 2 : index
    %swap3A_27 = arith.constant 0 : index
    %swap3A_28 = arith.constant 0 : index
    %swap3A_29 = vector.load %arg9[%swap3A_26, %swap3A_27, %swap3A_28] : memref<4x1536x128xf32, #tpu.memory_space<vmem>>, vector<1x1536x128xf32>
    %swap3A_30 = vector.shape_cast %swap3A_29 : vector<1x1536x128xf32> to vector<1536x128xf32>
    %swap3A_31 = vector.shape_cast %slice3A_25 : vector<1536x128xf32> to vector<1x1536x128xf32>
    tpu.vector_store %arg9[%swap3A_26, %swap3A_27, %swap3A_28], %swap3A_31 {strides = array<i32>} : memref<4x1536x128xf32, #tpu.memory_space<vmem>>, vector<1x1536x128xf32>,
    %slice3A_32 = vector.extract_strided_slice %add3A {offsets = [0, 384], sizes = [1536, 128], strides = [1, 1]} : vector<1536x512xf32> to vector<1536x128xf32>
    %swap3A_33 = arith.constant 3 : index
    %swap3A_34 = arith.constant 0 : index
    %swap3A_35 = arith.constant 0 : index
    %swap3A_36 = vector.load %arg9[%swap3A_33, %swap3A_34, %swap3A_35] : memref<4x1536x128xf32, #tpu.memory_space<vmem>>, vector<1x1536x128xf32>
    %swap3A_37 = vector.shape_cast %swap3A_36 : vector<1x1536x128xf32> to vector<1536x128xf32>
    %swap3A_38 = vector.shape_cast %slice3A_32 : vector<1536x128xf32> to vector<1x1536x128xf32>
    tpu.vector_store %arg9[%swap3A_33, %swap3A_34, %swap3A_35], %swap3A_38 {strides = array<i32>} : memref<4x1536x128xf32, #tpu.memory_space<vmem>>, vector<1x1536x128xf32>,
    %get3A_39 = arith.constant 0 : index
    %get3A_40 = arith.constant 0 : index
    %get3A_41 = arith.constant 0 : index
    %get3A_42 = tpu.strided_load %arg9[%get3A_39, %get3A_40, %get3A_41] {strides = array<i32: 1, 4, 1>} : memref<4x1536x128xf32, #tpu.memory_space<vmem>>, vector<1x128x128xf32>
    %get3A_43 = vector.shape_cast %get3A_42 : vector<1x128x128xf32> to vector<128x128xf32>
    %broadcast_in_dim3A = vector.shape_cast %get3A_43 : vector<128x128xf32> to vector<1x128x128xf32>
    %get3A_44 = arith.constant 1 : index
    %get3A_45 = arith.constant 0 : index
    %get3A_46 = arith.constant 0 : index
    %get3A_47 = tpu.strided_load %arg9[%get3A_44, %get3A_45, %get3A_46] {strides = array<i32: 1, 4, 1>} : memref<4x1536x128xf32, #tpu.memory_space<vmem>>, vector<1x128x128xf32>
    %get3A_48 = vector.shape_cast %get3A_47 : vector<1x128x128xf32> to vector<128x128xf32>
    %broadcast_in_dim3A_49 = vector.shape_cast %get3A_48 : vector<128x128xf32> to vector<1x128x128xf32>
    %add3A_50 = arith.addf %get3A_43, %get3A_48 : vector<128x128xf32>
    %get3A_51 = arith.constant 2 : index
    %get3A_52 = arith.constant 0 : index
    %get3A_53 = arith.constant 0 : index
    %get3A_54 = tpu.strided_load %arg9[%get3A_51, %get3A_52, %get3A_53] {strides = array<i32: 1, 4, 1>} : memref<4x1536x128xf32, #tpu.memory_space<vmem>>, vector<1x128x128xf32>
    %get3A_55 = vector.shape_cast %get3A_54 : vector<1x128x128xf32> to vector<128x128xf32>
    %broadcast_in_dim3A_56 = vector.shape_cast %get3A_55 : vector<128x128xf32> to vector<1x128x128xf32>
    %add3A_57 = arith.addf %add3A_50, %get3A_55 : vector<128x128xf32>
    %get3A_58 = arith.constant 3 : index
    %get3A_59 = arith.constant 0 : index
    %get3A_60 = arith.constant 0 : index
    %get3A_61 = tpu.strided_load %arg9[%get3A_58, %get3A_59, %get3A_60] {strides = array<i32: 1, 4, 1>} : memref<4x1536x128xf32, #tpu.memory_space<vmem>>, vector<1x128x128xf32>
    %get3A_62 = vector.shape_cast %get3A_61 : vector<1x128x128xf32> to vector<128x128xf32>
    %broadcast_in_dim3A_63 = vector.shape_cast %get3A_62 : vector<128x128xf32> to vector<1x128x128xf32>
    %add3A_64 = arith.addf %add3A_57, %get3A_62 : vector<128x128xf32>
    %get3A_65 = arith.constant 0 : index
    %get3A_66 = arith.constant 512 : index
    %get3A_67 = arith.constant 0 : index
    %get3A_68 = tpu.strided_load %arg9[%get3A_65, %get3A_66, %get3A_67] {strides = array<i32: 1, 4, 1>} : memref<4x1536x128xf32, #tpu.memory_space<vmem>>, vector<1x128x128xf32>
    %get3A_69 = vector.shape_cast %get3A_68 : vector<1x128x128xf32> to vector<128x128xf32>
    %broadcast_in_dim3A_70 = vector.shape_cast %get3A_69 : vector<128x128xf32> to vector<1x128x128xf32>
    %get3A_71 = arith.constant 1 : index
    %get3A_72 = arith.constant 512 : index
    %get3A_73 = arith.constant 0 : index
    %get3A_74 = tpu.strided_load %arg9[%get3A_71, %get3A_72, %get3A_73] {strides = array<i32: 1, 4, 1>} : memref<4x1536x128xf32, #tpu.memory_space<vmem>>, vector<1x128x128xf32>
    %get3A_75 = vector.shape_cast %get3A_74 : vector<1x128x128xf32> to vector<128x128xf32>
    %broadcast_in_dim3A_76 = vector.shape_cast %get3A_75 : vector<128x128xf32> to vector<1x128x128xf32>
    %add3A_77 = arith.addf %get3A_69, %get3A_75 : vector<128x128xf32>
    %get3A_78 = arith.constant 2 : index
    %get3A_79 = arith.constant 512 : index
    %get3A_80 = arith.constant 0 : index
    %get3A_81 = tpu.strided_load %arg9[%get3A_78, %get3A_79, %get3A_80] {strides = array<i32: 1, 4, 1>} : memref<4x1536x128xf32, #tpu.memory_space<vmem>>, vector<1x128x128xf32>
    %get3A_82 = vector.shape_cast %get3A_81 : vector<1x128x128xf32> to vector<128x128xf32>
    %broadcast_in_dim3A_83 = vector.shape_cast %get3A_82 : vector<128x128xf32> to vector<1x128x128xf32>
    %add3A_84 = arith.addf %add3A_77, %get3A_82 : vector<128x128xf32>
    %get3A_85 = arith.constant 3 : index
    %get3A_86 = arith.constant 512 : index
    %get3A_87 = arith.constant 0 : index
    %get3A_88 = tpu.strided_load %arg9[%get3A_85, %get3A_86, %get3A_87] {strides = array<i32: 1, 4, 1>} : memref<4x1536x128xf32, #tpu.memory_space<vmem>>, vector<1x128x128xf32>
    %get3A_89 = vector.shape_cast %get3A_88 : vector<1x128x128xf32> to vector<128x128xf32>
    %broadcast_in_dim3A_90 = vector.shape_cast %get3A_89 : vector<128x128xf32> to vector<1x128x128xf32>
    %add3A_91 = arith.addf %add3A_84, %get3A_89 : vector<128x128xf32>
    %get3A_92 = arith.constant 0 : index
    %get3A_93 = arith.constant 1024 : index
    %get3A_94 = arith.constant 0 : index
    %get3A_95 = tpu.strided_load %arg9[%get3A_92, %get3A_93, %get3A_94] {strides = array<i32: 1, 4, 1>} : memref<4x1536x128xf32, #tpu.memory_space<vmem>>, vector<1x128x128xf32>
    %get3A_96 = vector.shape_cast %get3A_95 : vector<1x128x128xf32> to vector<128x128xf32>
    %broadcast_in_dim3A_97 = vector.shape_cast %get3A_96 : vector<128x128xf32> to vector<1x128x128xf32>
    %get3A_98 = arith.constant 1 : index
    %get3A_99 = arith.constant 1024 : index
    %get3A_100 = arith.constant 0 : index
    %get3A_101 = tpu.strided_load %arg9[%get3A_98, %get3A_99, %get3A_100] {strides = array<i32: 1, 4, 1>} : memref<4x1536x128xf32, #tpu.memory_space<vmem>>, vector<1x128x128xf32>
    %get3A_102 = vector.shape_cast %get3A_101 : vector<1x128x128xf32> to vector<128x128xf32>
    %broadcast_in_dim3A_103 = vector.shape_cast %get3A_102 : vector<128x128xf32> to vector<1x128x128xf32>
    %add3A_104 = arith.addf %get3A_96, %get3A_102 : vector<128x128xf32>
    %get3A_105 = arith.constant 2 : index
    %get3A_106 = arith.constant 1024 : index
    %get3A_107 = arith.constant 0 : index
    %get3A_108 = tpu.strided_load %arg9[%get3A_105, %get3A_106, %get3A_107] {strides = array<i32: 1, 4, 1>} : memref<4x1536x128xf32, #tpu.memory_space<vmem>>, vector<1x128x128xf32>
    %get3A_109 = vector.shape_cast %get3A_108 : vector<1x128x128xf32> to vector<128x128xf32>
    %broadcast_in_dim3A_110 = vector.shape_cast %get3A_109 : vector<128x128xf32> to vector<1x128x128xf32>
    %add3A_111 = arith.addf %add3A_104, %get3A_109 : vector<128x128xf32>
    %get3A_112 = arith.constant 3 : index
    %get3A_113 = arith.constant 1024 : index
    %get3A_114 = arith.constant 0 : index
    %get3A_115 = tpu.strided_load %arg9[%get3A_112, %get3A_113, %get3A_114] {strides = array<i32: 1, 4, 1>} : memref<4x1536x128xf32, #tpu.memory_space<vmem>>, vector<1x128x128xf32>
    %get3A_116 = vector.shape_cast %get3A_115 : vector<1x128x128xf32> to vector<128x128xf32>
    %broadcast_in_dim3A_117 = vector.shape_cast %get3A_116 : vector<128x128xf32> to vector<1x128x128xf32>
    %add3A_118 = arith.addf %add3A_111, %get3A_116 : vector<128x128xf32>
    %get3A_119 = arith.constant 0 : index
    %get3A_120 = arith.constant 1 : index
    %get3A_121 = arith.constant 0 : index
    %get3A_122 = tpu.strided_load %arg9[%get3A_119, %get3A_120, %get3A_121] {strides = array<i32: 1, 4, 1>} : memref<4x1536x128xf32, #tpu.memory_space<vmem>>, vector<1x128x128xf32>
    %get3A_123 = vector.shape_cast %get3A_122 : vector<1x128x128xf32> to vector<128x128xf32>
    %broadcast_in_dim3A_124 = vector.shape_cast %get3A_123 : vector<128x128xf32> to vector<1x128x128xf32>
    %add3A_125 = arith.addf %add3A_64, %get3A_123 : vector<128x128xf32>
    %get3A_126 = arith.constant 1 : index
    %get3A_127 = arith.constant 1 : index
    %get3A_128 = arith.constant 0 : index
    %get3A_129 = tpu.strided_load %arg9[%get3A_126, %get3A_127, %get3A_128] {strides = array<i32: 1, 4, 1>} : memref<4x1536x128xf32, #tpu.memory_space<vmem>>, vector<1x128x128xf32>
    %get3A_130 = vector.shape_cast %get3A_129 : vector<1x128x128xf32> to vector<128x128xf32>
    %broadcast_in_dim3A_131 = vector.shape_cast %get3A_130 : vector<128x128xf32> to vector<1x128x128xf32>
    %add3A_132 = arith.addf %add3A_125, %get3A_130 : vector<128x128xf32>
    %get3A_133 = arith.constant 2 : index
    %get3A_134 = arith.constant 1 : index
    %get3A_135 = arith.constant 0 : index
    %get3A_136 = tpu.strided_load %arg9[%get3A_133, %get3A_134, %get3A_135] {strides = array<i32: 1, 4, 1>} : memref<4x1536x128xf32, #tpu.memory_space<vmem>>, vector<1x128x128xf32>
    %get3A_137 = vector.shape_cast %get3A_136 : vector<1x128x128xf32> to vector<128x128xf32>
    %broadcast_in_dim3A_138 = vector.shape_cast %get3A_137 : vector<128x128xf32> to vector<1x128x128xf32>
    %add3A_139 = arith.addf %add3A_132, %get3A_137 : vector<128x128xf32>
    %get3A_140 = arith.constant 3 : index
    %get3A_141 = arith.constant 1 : index
    %get3A_142 = arith.constant 0 : index
    %get3A_143 = tpu.strided_load %arg9[%get3A_140, %get3A_141, %get3A_142] {strides = array<i32: 1, 4, 1>} : memref<4x1536x128xf32, #tpu.memory_space<vmem>>, vector<1x128x128xf32>
    %get3A_144 = vector.shape_cast %get3A_143 : vector<1x128x128xf32> to vector<128x128xf32>
    %broadcast_in_dim3A_145 = vector.shape_cast %get3A_144 : vector<128x128xf32> to vector<1x128x128xf32>
    %add3A_146 = arith.addf %add3A_139, %get3A_144 : vector<128x128xf32>
    %get3A_147 = arith.constant 0 : index
    %get3A_148 = arith.constant 513 : index
    %get3A_149 = arith.constant 0 : index
    %get3A_150 = tpu.strided_load %arg9[%get3A_147, %get3A_148, %get3A_149] {strides = array<i32: 1, 4, 1>} : memref<4x1536x128xf32, #tpu.memory_space<vmem>>, vector<1x128x128xf32>
    %get3A_151 = vector.shape_cast %get3A_150 : vector<1x128x128xf32> to vector<128x128xf32>
    %broadcast_in_dim3A_152 = vector.shape_cast %get3A_151 : vector<128x128xf32> to vector<1x128x128xf32>
    %add3A_153 = arith.addf %add3A_91, %get3A_151 : vector<128x128xf32>
    %get3A_154 = arith.constant 1 : index
    %get3A_155 = arith.constant 513 : index
    %get3A_156 = arith.constant 0 : index
    %get3A_157 = tpu.strided_load %arg9[%get3A_154, %get3A_155, %get3A_156] {strides = array<i32: 1, 4, 1>} : memref<4x1536x128xf32, #tpu.memory_space<vmem>>, vector<1x128x128xf32>
    %get3A_158 = vector.shape_cast %get3A_157 : vector<1x128x128xf32> to vector<128x128xf32>
    %broadcast_in_dim3A_159 = vector.shape_cast %get3A_158 : vector<128x128xf32> to vector<1x128x128xf32>
    %add3A_160 = arith.addf %add3A_153, %get3A_158 : vector<128x128xf32>
    %get3A_161 = arith.constant 2 : index
    %get3A_162 = arith.constant 513 : index
    %get3A_163 = arith.constant 0 : index
    %get3A_164 = tpu.strided_load %arg9[%get3A_161, %get3A_162, %get3A_163] {strides = array<i32: 1, 4, 1>} : memref<4x1536x128xf32, #tpu.memory_space<vmem>>, vector<1x128x128xf32>
    %get3A_165 = vector.shape_cast %get3A_164 : vector<1x128x128xf32> to vector<128x128xf32>
    %broadcast_in_dim3A_166 = vector.shape_cast %get3A_165 : vector<128x128xf32> to vector<1x128x128xf32>
    %add3A_167 = arith.addf %add3A_160, %get3A_165 : vector<128x128xf32>
    %get3A_168 = arith.constant 3 : index
    %get3A_169 = arith.constant 513 : index
    %get3A_170 = arith.constant 0 : index
    %get3A_171 = tpu.strided_load %arg9[%get3A_168, %get3A_169, %get3A_170] {strides = array<i32: 1, 4, 1>} : memref<4x1536x128xf32, #tpu.memory_space<vmem>>, vector<1x128x128xf32>
    %get3A_172 = vector.shape_cast %get3A_171 : vector<1x128x128xf32> to vector<128x128xf32>
    %broadcast_in_dim3A_173 = vector.shape_cast %get3A_172 : vector<128x128xf32> to vector<1x128x128xf32>
    %add3A_174 = arith.addf %add3A_167, %get3A_172 : vector<128x128xf32>
    %get3A_175 = arith.constant 0 : index
    %get3A_176 = arith.constant 1025 : index
    %get3A_177 = arith.constant 0 : index
    %get3A_178 = tpu.strided_load %arg9[%get3A_175, %get3A_176, %get3A_177] {strides = array<i32: 1, 4, 1>} : memref<4x1536x128xf32, #tpu.memory_space<vmem>>, vector<1x128x128xf32>
    %get3A_179 = vector.shape_cast %get3A_178 : vector<1x128x128xf32> to vector<128x128xf32>
    %broadcast_in_dim3A_180 = vector.shape_cast %get3A_179 : vector<128x128xf32> to vector<1x128x128xf32>
    %add3A_181 = arith.addf %add3A_118, %get3A_179 : vector<128x128xf32>
    %get3A_182 = arith.constant 1 : index
    %get3A_183 = arith.constant 1025 : index
    %get3A_184 = arith.constant 0 : index
    %get3A_185 = tpu.strided_load %arg9[%get3A_182, %get3A_183, %get3A_184] {strides = array<i32: 1, 4, 1>} : memref<4x1536x128xf32, #tpu.memory_space<vmem>>, vector<1x128x128xf32>
    %get3A_186 = vector.shape_cast %get3A_185 : vector<1x128x128xf32> to vector<128x128xf32>
    %broadcast_in_dim3A_187 = vector.shape_cast %get3A_186 : vector<128x128xf32> to vector<1x128x128xf32>
    %add3A_188 = arith.addf %add3A_181, %get3A_186 : vector<128x128xf32>
    %get3A_189 = arith.constant 2 : index
    %get3A_190 = arith.constant 1025 : index
    %get3A_191 = arith.constant 0 : index
    %get3A_192 = tpu.strided_load %arg9[%get3A_189, %get3A_190, %get3A_191] {strides = array<i32: 1, 4, 1>} : memref<4x1536x128xf32, #tpu.memory_space<vmem>>, vector<1x128x128xf32>
    %get3A_193 = vector.shape_cast %get3A_192 : vector<1x128x128xf32> to vector<128x128xf32>
    %broadcast_in_dim3A_194 = vector.shape_cast %get3A_193 : vector<128x128xf32> to vector<1x128x128xf32>
    %add3A_195 = arith.addf %add3A_188, %get3A_193 : vector<128x128xf32>
    %get3A_196 = arith.constant 3 : index
    %get3A_197 = arith.constant 1025 : index
    %get3A_198 = arith.constant 0 : index
    %get3A_199 = tpu.strided_load %arg9[%get3A_196, %get3A_197, %get3A_198] {strides = array<i32: 1, 4, 1>} : memref<4x1536x128xf32, #tpu.memory_space<vmem>>, vector<1x128x128xf32>
    %get3A_200 = vector.shape_cast %get3A_199 : vector<1x128x128xf32> to vector<128x128xf32>
    %broadcast_in_dim3A_201 = vector.shape_cast %get3A_200 : vector<128x128xf32> to vector<1x128x128xf32>
    %add3A_202 = arith.addf %add3A_195, %get3A_200 : vector<128x128xf32>
    %get3A_203 = arith.constant 0 : index
    %get3A_204 = arith.constant 2 : index
    %get3A_205 = arith.constant 0 : index
    %get3A_206 = tpu.strided_load %arg9[%get3A_203, %get3A_204, %get3A_205] {strides = array<i32: 1, 4, 1>} : memref<4x1536x128xf32, #tpu.memory_space<vmem>>, vector<1x128x128xf32>
    %get3A_207 = vector.shape_cast %get3A_206 : vector<1x128x128xf32> to vector<128x128xf32>
    %broadcast_in_dim3A_208 = vector.shape_cast %get3A_207 : vector<128x128xf32> to vector<1x128x128xf32>
    %add3A_209 = arith.addf %add3A_146, %get3A_207 : vector<128x128xf32>
    %get3A_210 = arith.constant 1 : index
    %get3A_211 = arith.constant 2 : index
    %get3A_212 = arith.constant 0 : index
    %get3A_213 = tpu.strided_load %arg9[%get3A_210, %get3A_211, %get3A_212] {strides = array<i32: 1, 4, 1>} : memref<4x1536x128xf32, #tpu.memory_space<vmem>>, vector<1x128x128xf32>
    %get3A_214 = vector.shape_cast %get3A_213 : vector<1x128x128xf32> to vector<128x128xf32>
    %broadcast_in_dim3A_215 = vector.shape_cast %get3A_214 : vector<128x128xf32> to vector<1x128x128xf32>
    %add3A_216 = arith.addf %add3A_209, %get3A_214 : vector<128x128xf32>
    %get3A_217 = arith.constant 2 : index
    %get3A_218 = arith.constant 2 : index
    %get3A_219 = arith.constant 0 : index
    %get3A_220 = tpu.strided_load %arg9[%get3A_217, %get3A_218, %get3A_219] {strides = array<i32: 1, 4, 1>} : memref<4x1536x128xf32, #tpu.memory_space<vmem>>, vector<1x128x128xf32>
    %get3A_221 = vector.shape_cast %get3A_220 : vector<1x128x128xf32> to vector<128x128xf32>
    %broadcast_in_dim3A_222 = vector.shape_cast %get3A_221 : vector<128x128xf32> to vector<1x128x128xf32>
    %add3A_223 = arith.addf %add3A_216, %get3A_221 : vector<128x128xf32>
    %get3A_224 = arith.constant 3 : index
    %get3A_225 = arith.constant 2 : index
    %get3A_226 = arith.constant 0 : index
    %get3A_227 = tpu.strided_load %arg9[%get3A_224, %get3A_225, %get3A_226] {strides = array<i32: 1, 4, 1>} : memref<4x1536x128xf32, #tpu.memory_space<vmem>>, vector<1x128x128xf32>
    %get3A_228 = vector.shape_cast %get3A_227 : vector<1x128x128xf32> to vector<128x128xf32>
    %broadcast_in_dim3A_229 = vector.shape_cast %get3A_228 : vector<128x128xf32> to vector<1x128x128xf32>
    %add3A_230 = arith.addf %add3A_223, %get3A_228 : vector<128x128xf32>
    %get3A_231 = arith.constant 0 : index
    %get3A_232 = arith.constant 514 : index
    %get3A_233 = arith.constant 0 : index
    %get3A_234 = tpu.strided_load %arg9[%get3A_231, %get3A_232, %get3A_233] {strides = array<i32: 1, 4, 1>} : memref<4x1536x128xf32, #tpu.memory_space<vmem>>, vector<1x128x128xf32>
    %get3A_235 = vector.shape_cast %get3A_234 : vector<1x128x128xf32> to vector<128x128xf32>
    %broadcast_in_dim3A_236 = vector.shape_cast %get3A_235 : vector<128x128xf32> to vector<1x128x128xf32>
    %add3A_237 = arith.addf %add3A_174, %get3A_235 : vector<128x128xf32>
    %get3A_238 = arith.constant 1 : index
    %get3A_239 = arith.constant 514 : index
    %get3A_240 = arith.constant 0 : index
    %get3A_241 = tpu.strided_load %arg9[%get3A_238, %get3A_239, %get3A_240] {strides = array<i32: 1, 4, 1>} : memref<4x1536x128xf32, #tpu.memory_space<vmem>>, vector<1x128x128xf32>
    %get3A_242 = vector.shape_cast %get3A_241 : vector<1x128x128xf32> to vector<128x128xf32>
    %broadcast_in_dim3A_243 = vector.shape_cast %get3A_242 : vector<128x128xf32> to vector<1x128x128xf32>
    %add3A_244 = arith.addf %add3A_237, %get3A_242 : vector<128x128xf32>
    %get3A_245 = arith.constant 2 : index
    %get3A_246 = arith.constant 514 : index
    %get3A_247 = arith.constant 0 : index
    %get3A_248 = tpu.strided_load %arg9[%get3A_245, %get3A_246, %get3A_247] {strides = array<i32: 1, 4, 1>} : memref<4x1536x128xf32, #tpu.memory_space<vmem>>, vector<1x128x128xf32>
    %get3A_249 = vector.shape_cast %get3A_248 : vector<1x128x128xf32> to vector<128x128xf32>
    %broadcast_in_dim3A_250 = vector.shape_cast %get3A_249 : vector<128x128xf32> to vector<1x128x128xf32>
    %add3A_251 = arith.addf %add3A_244, %get3A_249 : vector<128x128xf32>
    %get3A_252 = arith.constant 3 : index
    %get3A_253 = arith.constant 514 : index
    %get3A_254 = arith.constant 0 : index
    %get3A_255 = tpu.strided_load %arg9[%get3A_252, %get3A_253, %get3A_254] {strides = array<i32: 1, 4, 1>} : memref<4x1536x128xf32, #tpu.memory_space<vmem>>, vector<1x128x128xf32>
    %get3A_256 = vector.shape_cast %get3A_255 : vector<1x128x128xf32> to vector<128x128xf32>
    %broadcast_in_dim3A_257 = vector.shape_cast %get3A_256 : vector<128x128xf32> to vector<1x128x128xf32>
    %add3A_258 = arith.addf %add3A_251, %get3A_256 : vector<128x128xf32>
    %get3A_259 = arith.constant 0 : index
    %get3A_260 = arith.constant 1026 : index
    %get3A_261 = arith.constant 0 : index
    %get3A_262 = tpu.strided_load %arg9[%get3A_259, %get3A_260, %get3A_261] {strides = array<i32: 1, 4, 1>} : memref<4x1536x128xf32, #tpu.memory_space<vmem>>, vector<1x128x128xf32>
    %get3A_263 = vector.shape_cast %get3A_262 : vector<1x128x128xf32> to vector<128x128xf32>
    %broadcast_in_dim3A_264 = vector.shape_cast %get3A_263 : vector<128x128xf32> to vector<1x128x128xf32>
    %add3A_265 = arith.addf %add3A_202, %get3A_263 : vector<128x128xf32>
    %get3A_266 = arith.constant 1 : index
    %get3A_267 = arith.constant 1026 : index
    %get3A_268 = arith.constant 0 : index
    %get3A_269 = tpu.strided_load %arg9[%get3A_266, %get3A_267, %get3A_268] {strides = array<i32: 1, 4, 1>} : memref<4x1536x128xf32, #tpu.memory_space<vmem>>, vector<1x128x128xf32>
    %get3A_270 = vector.shape_cast %get3A_269 : vector<1x128x128xf32> to vector<128x128xf32>
    %broadcast_in_dim3A_271 = vector.shape_cast %get3A_270 : vector<128x128xf32> to vector<1x128x128xf32>
    %add3A_272 = arith.addf %add3A_265, %get3A_270 : vector<128x128xf32>
    %get3A_273 = arith.constant 2 : index
    %get3A_274 = arith.constant 1026 : index
    %get3A_275 = arith.constant 0 : index
    %get3A_276 = tpu.strided_load %arg9[%get3A_273, %get3A_274, %get3A_275] {strides = array<i32: 1, 4, 1>} : memref<4x1536x128xf32, #tpu.memory_space<vmem>>, vector<1x128x128xf32>
    %get3A_277 = vector.shape_cast %get3A_276 : vector<1x128x128xf32> to vector<128x128xf32>
    %broadcast_in_dim3A_278 = vector.shape_cast %get3A_277 : vector<128x128xf32> to vector<1x128x128xf32>
    %add3A_279 = arith.addf %add3A_272, %get3A_277 : vector<128x128xf32>
    %get3A_280 = arith.constant 3 : index
    %get3A_281 = arith.constant 1026 : index
    %get3A_282 = arith.constant 0 : index
    %get3A_283 = tpu.strided_load %arg9[%get3A_280, %get3A_281, %get3A_282] {strides = array<i32: 1, 4, 1>} : memref<4x1536x128xf32, #tpu.memory_space<vmem>>, vector<1x128x128xf32>
    %get3A_284 = vector.shape_cast %get3A_283 : vector<1x128x128xf32> to vector<128x128xf32>
    %broadcast_in_dim3A_285 = vector.shape_cast %get3A_284 : vector<128x128xf32> to vector<1x128x128xf32>
    %add3A_286 = arith.addf %add3A_279, %get3A_284 : vector<128x128xf32>
    %get3A_287 = arith.constant 0 : index
    %get3A_288 = arith.constant 3 : index
    %get3A_289 = arith.constant 0 : index
    %get3A_290 = tpu.strided_load %arg9[%get3A_287, %get3A_288, %get3A_289] {strides = array<i32: 1, 4, 1>} : memref<4x1536x128xf32, #tpu.memory_space<vmem>>, vector<1x128x128xf32>
    %get3A_291 = vector.shape_cast %get3A_290 : vector<1x128x128xf32> to vector<128x128xf32>
    %broadcast_in_dim3A_292 = vector.shape_cast %get3A_291 : vector<128x128xf32> to vector<1x128x128xf32>
    %add3A_293 = arith.addf %add3A_230, %get3A_291 : vector<128x128xf32>
    %get3A_294 = arith.constant 1 : index
    %get3A_295 = arith.constant 3 : index
    %get3A_296 = arith.constant 0 : index
    %get3A_297 = tpu.strided_load %arg9[%get3A_294, %get3A_295, %get3A_296] {strides = array<i32: 1, 4, 1>} : memref<4x1536x128xf32, #tpu.memory_space<vmem>>, vector<1x128x128xf32>
    %get3A_298 = vector.shape_cast %get3A_297 : vector<1x128x128xf32> to vector<128x128xf32>
    %broadcast_in_dim3A_299 = vector.shape_cast %get3A_298 : vector<128x128xf32> to vector<1x128x128xf32>
    %add3A_300 = arith.addf %add3A_293, %get3A_298 : vector<128x128xf32>
    %get3A_301 = arith.constant 2 : index
    %get3A_302 = arith.constant 3 : index
    %get3A_303 = arith.constant 0 : index
    %get3A_304 = tpu.strided_load %arg9[%get3A_301, %get3A_302, %get3A_303] {strides = array<i32: 1, 4, 1>} : memref<4x1536x128xf32, #tpu.memory_space<vmem>>, vector<1x128x128xf32>
    %get3A_305 = vector.shape_cast %get3A_304 : vector<1x128x128xf32> to vector<128x128xf32>
    %broadcast_in_dim3A_306 = vector.shape_cast %get3A_305 : vector<128x128xf32> to vector<1x128x128xf32>
    %add3A_307 = arith.addf %add3A_300, %get3A_305 : vector<128x128xf32>
    %get3A_308 = arith.constant 3 : index
    %get3A_309 = arith.constant 3 : index
    %get3A_310 = arith.constant 0 : index
    %get3A_311 = tpu.strided_load %arg9[%get3A_308, %get3A_309, %get3A_310] {strides = array<i32: 1, 4, 1>} : memref<4x1536x128xf32, #tpu.memory_space<vmem>>, vector<1x128x128xf32>
    %get3A_312 = vector.shape_cast %get3A_311 : vector<1x128x128xf32> to vector<128x128xf32>
    %broadcast_in_dim3A_313 = vector.shape_cast %get3A_312 : vector<128x128xf32> to vector<1x128x128xf32>
    %add3A_314 = arith.addf %add3A_307, %get3A_312 : vector<128x128xf32>
    %get3A_315 = arith.constant 0 : index
    %get3A_316 = arith.constant 515 : index
    %get3A_317 = arith.constant 0 : index
    %get3A_318 = tpu.strided_load %arg9[%get3A_315, %get3A_316, %get3A_317] {strides = array<i32: 1, 4, 1>} : memref<4x1536x128xf32, #tpu.memory_space<vmem>>, vector<1x128x128xf32>
    %get3A_319 = vector.shape_cast %get3A_318 : vector<1x128x128xf32> to vector<128x128xf32>
    %broadcast_in_dim3A_320 = vector.shape_cast %get3A_319 : vector<128x128xf32> to vector<1x128x128xf32>
    %add3A_321 = arith.addf %add3A_258, %get3A_319 : vector<128x128xf32>
    %get3A_322 = arith.constant 1 : index
    %get3A_323 = arith.constant 515 : index
    %get3A_324 = arith.constant 0 : index
    %get3A_325 = tpu.strided_load %arg9[%get3A_322, %get3A_323, %get3A_324] {strides = array<i32: 1, 4, 1>} : memref<4x1536x128xf32, #tpu.memory_space<vmem>>, vector<1x128x128xf32>
    %get3A_326 = vector.shape_cast %get3A_325 : vector<1x128x128xf32> to vector<128x128xf32>
    %broadcast_in_dim3A_327 = vector.shape_cast %get3A_326 : vector<128x128xf32> to vector<1x128x128xf32>
    %add3A_328 = arith.addf %add3A_321, %get3A_326 : vector<128x128xf32>
    %get3A_329 = arith.constant 2 : index
    %get3A_330 = arith.constant 515 : index
    %get3A_331 = arith.constant 0 : index
    %get3A_332 = tpu.strided_load %arg9[%get3A_329, %get3A_330, %get3A_331] {strides = array<i32: 1, 4, 1>} : memref<4x1536x128xf32, #tpu.memory_space<vmem>>, vector<1x128x128xf32>
    %get3A_333 = vector.shape_cast %get3A_332 : vector<1x128x128xf32> to vector<128x128xf32>
    %broadcast_in_dim3A_334 = vector.shape_cast %get3A_333 : vector<128x128xf32> to vector<1x128x128xf32>
    %add3A_335 = arith.addf %add3A_328, %get3A_333 : vector<128x128xf32>
    %get3A_336 = arith.constant 3 : index
    %get3A_337 = arith.constant 515 : index
    %get3A_338 = arith.constant 0 : index
    %get3A_339 = tpu.strided_load %arg9[%get3A_336, %get3A_337, %get3A_338] {strides = array<i32: 1, 4, 1>} : memref<4x1536x128xf32, #tpu.memory_space<vmem>>, vector<1x128x128xf32>
    %get3A_340 = vector.shape_cast %get3A_339 : vector<1x128x128xf32> to vector<128x128xf32>
    %broadcast_in_dim3A_341 = vector.shape_cast %get3A_340 : vector<128x128xf32> to vector<1x128x128xf32>
    %add3A_342 = arith.addf %add3A_335, %get3A_340 : vector<128x128xf32>
    %get3A_343 = arith.constant 0 : index
    %get3A_344 = arith.constant 1027 : index
    %get3A_345 = arith.constant 0 : index
    %get3A_346 = tpu.strided_load %arg9[%get3A_343, %get3A_344, %get3A_345] {strides = array<i32: 1, 4, 1>} : memref<4x1536x128xf32, #tpu.memory_space<vmem>>, vector<1x128x128xf32>
    %get3A_347 = vector.shape_cast %get3A_346 : vector<1x128x128xf32> to vector<128x128xf32>
    %broadcast_in_dim3A_348 = vector.shape_cast %get3A_347 : vector<128x128xf32> to vector<1x128x128xf32>
    %add3A_349 = arith.addf %add3A_286, %get3A_347 : vector<128x128xf32>
    %get3A_350 = arith.constant 1 : index
    %get3A_351 = arith.constant 1027 : index
    %get3A_352 = arith.constant 0 : index
    %get3A_353 = tpu.strided_load %arg9[%get3A_350, %get3A_351, %get3A_352] {strides = array<i32: 1, 4, 1>} : memref<4x1536x128xf32, #tpu.memory_space<vmem>>, vector<1x128x128xf32>
    %get3A_354 = vector.shape_cast %get3A_353 : vector<1x128x128xf32> to vector<128x128xf32>
    %broadcast_in_dim3A_355 = vector.shape_cast %get3A_354 : vector<128x128xf32> to vector<1x128x128xf32>
    %add3A_356 = arith.addf %add3A_349, %get3A_354 : vector<128x128xf32>
    %get3A_357 = arith.constant 2 : index
    %get3A_358 = arith.constant 1027 : index
    %get3A_359 = arith.constant 0 : index
    %get3A_360 = tpu.strided_load %arg9[%get3A_357, %get3A_358, %get3A_359] {strides = array<i32: 1, 4, 1>} : memref<4x1536x128xf32, #tpu.memory_space<vmem>>, vector<1x128x128xf32>
    %get3A_361 = vector.shape_cast %get3A_360 : vector<1x128x128xf32> to vector<128x128xf32>
    %broadcast_in_dim3A_362 = vector.shape_cast %get3A_361 : vector<128x128xf32> to vector<1x128x128xf32>
    %add3A_363 = arith.addf %add3A_356, %get3A_361 : vector<128x128xf32>
    %get3A_364 = arith.constant 3 : index
    %get3A_365 = arith.constant 1027 : index
    %get3A_366 = arith.constant 0 : index
    %get3A_367 = tpu.strided_load %arg9[%get3A_364, %get3A_365, %get3A_366] {strides = array<i32: 1, 4, 1>} : memref<4x1536x128xf32, #tpu.memory_space<vmem>>, vector<1x128x128xf32>
    %get3A_368 = vector.shape_cast %get3A_367 : vector<1x128x128xf32> to vector<128x128xf32>
    %broadcast_in_dim3A_369 = vector.shape_cast %get3A_368 : vector<128x128xf32> to vector<1x128x128xf32>
    %add3A_370 = arith.addf %add3A_363, %get3A_368 : vector<128x128xf32>
    %concatenate3A = tpu.concatenate %broadcast_in_dim3A, %broadcast_in_dim3A_49, %broadcast_in_dim3A_56, %broadcast_in_dim3A_63, %broadcast_in_dim3A_70, %broadcast_in_dim3A_76, %broadcast_in_dim3A_83, %broadcast_in_dim3A_90, %broadcast_in_dim3A_97, %broadcast_in_dim3A_103, %broadcast_in_dim3A_110, %broadcast_in_dim3A_117, %broadcast_in_dim3A_124, %broadcast_in_dim3A_131, %broadcast_in_dim3A_138, %broadcast_in_dim3A_145, %broadcast_in_dim3A_152, %broadcast_in_dim3A_159, %broadcast_in_dim3A_166, %broadcast_in_dim3A_173, %broadcast_in_dim3A_180, %broadcast_in_dim3A_187, %broadcast_in_dim3A_194, %broadcast_in_dim3A_201, %broadcast_in_dim3A_208, %broadcast_in_dim3A_215, %broadcast_in_dim3A_222, %broadcast_in_dim3A_229, %broadcast_in_dim3A_236, %broadcast_in_dim3A_243, %broadcast_in_dim3A_250, %broadcast_in_dim3A_257, %broadcast_in_dim3A_264, %broadcast_in_dim3A_271, %broadcast_in_dim3A_278, %broadcast_in_dim3A_285, %broadcast_in_dim3A_292, %broadcast_in_dim3A_299, %broadcast_in_dim3A_306, %broadcast_in_dim3A_313, %broadcast_in_dim3A_320, %broadcast_in_dim3A_327, %broadcast_in_dim3A_334, %broadcast_in_dim3A_341, %broadcast_in_dim3A_348, %broadcast_in_dim3A_355, %broadcast_in_dim3A_362, %broadcast_in_dim3A_369 in 0 : vector<1x128x128xf32>, vector<1x128x128xf32>, vector<1x128x128xf32>, vector<1x128x128xf32>, vector<1x128x128xf32>, vector<1x128x128xf32>, vector<1x128x128xf32>, vector<1x128x128xf32>, vector<1x128x128xf32>, vector<1x128x128xf32>, vector<1x128x128xf32>, vector<1x128x128xf32>, vector<1x128x128xf32>, vector<1x128x128xf32>, vector<1x128x128xf32>, vector<1x128x128xf32>, vector<1x128x128xf32>, vector<1x128x128xf32>, vector<1x128x128xf32>, vector<1x128x128xf32>, vector<1x128x128xf32>, vector<1x128x128xf32>, vector<1x128x128xf32>, vector<1x128x128xf32>, vector<1x128x128xf32>, vector<1x128x128xf32>, vector<1x128x128xf32>, vector<1x128x128xf32>, vector<1x128x128xf32>, vector<1x128x128xf32>, vector<1x128x128xf32>, vector<1x128x128xf32>, vector<1x128x128xf32>, vector<1x128x128xf32>, vector<1x128x128xf32>, vector<1x128x128xf32>, vector<1x128x128xf32>, vector<1x128x128xf32>, vector<1x128x128xf32>, vector<1x128x128xf32>, vector<1x128x128xf32>, vector<1x128x128xf32>, vector<1x128x128xf32>, vector<1x128x128xf32>, vector<1x128x128xf32>, vector<1x128x128xf32>, vector<1x128x128xf32>, vector<1x128x128xf32> -> vector<48x128x128xf32>
    %reshape3A_371 = vector.shape_cast %concatenate3A : vector<48x128x128xf32> to vector<48x16384xf32>
    %get3A_372 = arith.constant 0 : index
    %get3A_373 = arith.constant 0 : index
    %get3A_374 = vector.load %arg3[%get3A_372, %get3A_373] : memref<128x48xf32, #tpu.memory_space<vmem>>, vector<128x48xf32>
    %dot_general3A_375 = arith.constant dense<0.000000e+00> : vector<128x16384xf32>
    %dot_general3A_376 = tpu.matmul %get3A_374, %reshape3A_371, %dot_general3A_375 {dimension_numbers = #tpu.dot_dimension_numbers<[1], [0], [0], [1], [0, 0, 1, 1], [], []>, transpose_lhs_hint = false} : vector<128x48xf32>, vector<48x16384xf32>, vector<128x16384xf32> -> vector<128x16384xf32>
    %get3A_377 = arith.constant 0 : index
    %get3A_378 = arith.constant 0 : index
    %get3A_379 = vector.load %arg4[%get3A_377, %get3A_378] : memref<32x1xf32, #tpu.memory_space<vmem>>, vector<32x1xf32>
    %broadcast_in_dim3A_380 = arith.constant 1.000000e+00 : f32
    %broadcast_in_dim3A_381 = vector.broadcast %broadcast_in_dim3A_380 : f32 to vector<32x16384xf32>
    %mul3A = vector.broadcast %get3A_379 : vector<32x1xf32> to vector<32x16384xf32>
    %mul3A_382 = arith.mulf %mul3A, %broadcast_in_dim3A_381 : vector<32x16384xf32>
    %iota3A = tpu.iota {dimensions = array<i32: 1>} : vector<1x16384xi32>
    %and3A = arith.constant 127 : i32
    %and3A_383 = vector.broadcast %and3A : i32 to vector<1x16384xi32>
    %and3A_384 = arith.andi %iota3A, %and3A_383 : vector<1x16384xi32>
    %ne3A = arith.constant 0 : i32
    %ne3A_385 = vector.broadcast %ne3A : i32 to vector<1x16384xi32>
    %ne3A_386 = arith.cmpi ne, %and3A_384, %ne3A_385 : vector<1x16384xi32>
    %convert_element_type3A_387 = arith.extui %ne3A_386 : vector<1x16384xi1> to vector<1x16384xi32>
    %convert_element_type3A_388 = arith.sitofp %convert_element_type3A_387 : vector<1x16384xi32> to vector<1x16384xf32>
    %slice3A_389 = vector.extract_strided_slice %dot_general3A_376 {offsets = [0, 0], sizes = [32, 16384], strides = [1, 1]} : vector<128x16384xf32> to vector<32x16384xf32>
    %jit3A = arith.constant 0 : i32
    %convert_element_type3A_390 = arith.sitofp %jit3A : i32 to f32
    %pad3A = vector.broadcast %convert_element_type3A_390 : f32 to vector<32x129xf32>
    %pad3A_391 = tpu.concatenate %pad3A, %slice3A_389 in 1 : vector<32x129xf32>, vector<32x16384xf32> -> vector<32x16513xf32>
    %slice3A_392 = vector.extract_strided_slice %pad3A_391 {offsets = [0, 0], sizes = [32, 16384], strides = [1, 1]} : vector<32x16513xf32> to vector<32x16384xf32>
    %mul3A_393 = vector.broadcast %convert_element_type3A_388 : vector<1x16384xf32> to vector<32x16384xf32>
    %mul3A_394 = arith.mulf %slice3A_392, %mul3A_393 : vector<32x16384xf32>
    %add3A_395 = arith.addf %mul3A_382, %mul3A_394 : vector<32x16384xf32>
    %slice3A_396 = vector.extract_strided_slice %dot_general3A_376 {offsets = [32, 0], sizes = [32, 16384], strides = [1, 1]} : vector<128x16384xf32> to vector<32x16384xf32>
    %jit3A_397 = arith.constant 0 : i32
    %convert_element_type3A_398 = arith.sitofp %jit3A_397 : i32 to f32
    %pad3A_399 = vector.broadcast %convert_element_type3A_398 : f32 to vector<32x128xf32>
    %pad3A_400 = tpu.concatenate %pad3A_399, %slice3A_396 in 1 : vector<32x128xf32>, vector<32x16384xf32> -> vector<32x16512xf32>
    %slice3A_401 = vector.extract_strided_slice %pad3A_400 {offsets = [0, 0], sizes = [32, 16384], strides = [1, 1]} : vector<32x16512xf32> to vector<32x16384xf32>
    %add3A_402 = arith.addf %add3A_395, %slice3A_401 : vector<32x16384xf32>
    %slice3A_403 = vector.extract_strided_slice %dot_general3A_376 {offsets = [64, 0], sizes = [32, 16384], strides = [1, 1]} : vector<128x16384xf32> to vector<32x16384xf32>
    %jit3A_404 = arith.constant 0 : i32
    %convert_element_type3A_405 = arith.sitofp %jit3A_404 : i32 to f32
    %pad3A_406 = vector.broadcast %convert_element_type3A_405 : f32 to vector<32x1xf32>
    %pad3A_407 = tpu.concatenate %pad3A_406, %slice3A_403 in 1 : vector<32x1xf32>, vector<32x16384xf32> -> vector<32x16385xf32>
    %slice3A_408 = vector.extract_strided_slice %pad3A_407 {offsets = [0, 0], sizes = [32, 16384], strides = [1, 1]} : vector<32x16385xf32> to vector<32x16384xf32>
    %mul3A_409 = vector.broadcast %convert_element_type3A_388 : vector<1x16384xf32> to vector<32x16384xf32>
    %mul3A_410 = arith.mulf %slice3A_408, %mul3A_409 : vector<32x16384xf32>
    %add3A_411 = arith.addf %add3A_402, %mul3A_410 : vector<32x16384xf32>
    %slice3A_412 = vector.extract_strided_slice %dot_general3A_376 {offsets = [96, 0], sizes = [32, 16384], strides = [1, 1]} : vector<128x16384xf32> to vector<32x16384xf32>
    %add3A_413 = arith.addf %add3A_411, %slice3A_412 : vector<32x16384xf32>
    %max3A = arith.constant 0.000000e+00 : f32
    %max3A_414 = vector.broadcast %max3A : f32 to vector<32x16384xf32>
    %max3A_415 = arith.maximumf %add3A_413, %max3A_414 : vector<32x16384xf32>
    %get3A_416 = arith.constant 0 : index
    %get3A_417 = arith.constant 0 : index
    %get3A_418 = vector.load %arg5[%get3A_416, %get3A_417] : memref<16384x16xf32, #tpu.memory_space<vmem>>, vector<16384x16xf32>
    %dot_general3A_419 = arith.constant dense<0.000000e+00> : vector<32x16xf32>
    %dot_general3A_420 = tpu.matmul %max3A_415, %get3A_418, %dot_general3A_419 {dimension_numbers = #tpu.dot_dimension_numbers<[1], [0], [0], [1], [0, 0, 1, 1], [], []>, transpose_lhs_hint = false} : vector<32x16384xf32>, vector<16384x16xf32>, vector<32x16xf32> -> vector<32x16xf32>
    %broadcast_in_dim3A_421 = vector.shape_cast %dot_general3A_420 : vector<32x16xf32> to vector<1x32x16xf32>
    %swap3A_422 = arith.constant 0 : index
    %swap3A_423 = arith.constant 0 : index
    %swap3A_424 = arith.constant 0 : index
    %swap3A_425 = vector.load %arg7[%swap3A_422, %swap3A_423, %swap3A_424] : memref<1x32x16xf32, #tpu.memory_space<vmem>>, vector<1x32x16xf32>
    tpu.vector_store %arg7[%swap3A_422, %swap3A_423, %swap3A_424], %broadcast_in_dim3A_421 {strides = array<i32>} : memref<1x32x16xf32, #tpu.memory_space<vmem>>, vector<1x32x16xf32>,
    %reshape3A_426 = vector.shape_cast %add3A_314 : vector<128x128xf32> to vector<16x8x128xf32>
    %reduce_sum3A = arith.constant dense<0.000000e+00> : vector<16x128xf32>
    %reduce_sum3A_427 = vector.multi_reduction <add>, %reshape3A_426, %reduce_sum3A [1] : vector<16x8x128xf32> to vector<16x128xf32>
    %reshape3A_428 = vector.shape_cast %add3A_342 : vector<128x128xf32> to vector<16x8x128xf32>
    %reduce_sum3A_429 = arith.constant dense<0.000000e+00> : vector<16x128xf32>
    %reduce_sum3A_430 = vector.multi_reduction <add>, %reshape3A_428, %reduce_sum3A_429 [1] : vector<16x8x128xf32> to vector<16x128xf32>
    %reshape3A_431 = vector.shape_cast %add3A_370 : vector<128x128xf32> to vector<16x8x128xf32>
    %reduce_sum3A_432 = arith.constant dense<0.000000e+00> : vector<16x128xf32>
    %reduce_sum3A_433 = vector.multi_reduction <add>, %reshape3A_431, %reduce_sum3A_432 [1] : vector<16x8x128xf32> to vector<16x128xf32>
    %concatenate3A_434 = tpu.concatenate %reduce_sum3A_427, %reduce_sum3A_430, %reduce_sum3A_433 in 0 : vector<16x128xf32>, vector<16x128xf32>, vector<16x128xf32> -> vector<48x128xf32>
    %get3A_435 = arith.constant 0 : index
    %get3A_436 = arith.constant 0 : index
    %get3A_437 = vector.load %arg6[%get3A_435, %get3A_436] : memref<128x16xf32, #tpu.memory_space<vmem>>, vector<128x16xf32>
    %dot_general3A_438 = arith.constant dense<0.000000e+00> : vector<48x16xf32>
    %dot_general3A_439 = tpu.matmul %concatenate3A_434, %get3A_437, %dot_general3A_438 {dimension_numbers = #tpu.dot_dimension_numbers<[1], [0], [0], [1], [0, 0, 1, 1], [], []>, transpose_lhs_hint = false} : vector<48x128xf32>, vector<128x16xf32>, vector<48x16xf32> -> vector<48x16xf32>
    %broadcast_in_dim3A_440 = vector.shape_cast %dot_general3A_439 : vector<48x16xf32> to vector<1x48x16xf32>
    %swap3A_441 = arith.constant 0 : index
    %swap3A_442 = arith.constant 0 : index
    %swap3A_443 = arith.constant 0 : index
    %swap3A_444 = vector.load %arg8[%swap3A_441, %swap3A_442, %swap3A_443] : memref<1x48x16xf32, #tpu.memory_space<vmem>>, vector<1x48x16xf32>
    tpu.vector_store %arg8[%swap3A_441, %swap3A_442, %swap3A_443], %broadcast_in_dim3A_440 {strides = array<i32>} : memref<1x48x16xf32, #tpu.memory_space<vmem>>, vector<1x48x16xf32>,
    return
  }
  func.func @transform_0(%arg0: i32) -> (i32, i32, i32, i32) {
    %c0_i32 = arith.constant 0 : i32
    %c0_i32_0 = arith.constant 0 : i32
    %c0_i32_1 = arith.constant 0 : i32
    %c0_i32_2 = arith.constant 0 : i32
    return %arg0, %c0_i32, %c0_i32_0, %c0_i32_1 : i32, i32, i32, i32
  }
  func.func @transform_1(%arg0: i32) -> (i32, i32) {
    %c0_i32 = arith.constant 0 : i32
    %c0_i32_0 = arith.constant 0 : i32
    %c0_i32_1 = arith.constant 0 : i32
    return %c0_i32, %c0_i32_0 : i32, i32
  }
  func.func @transform_2(%arg0: i32) -> (i32, i32) {
    %c0_i32 = arith.constant 0 : i32
    %c0_i32_0 = arith.constant 0 : i32
    %c0_i32_1 = arith.constant 0 : i32
    return %c0_i32, %c0_i32_0 : i32, i32
  }
  func.func @transform_3(%arg0: i32) -> (i32, i32) {
    %c0_i32 = arith.constant 0 : i32
    %c0_i32_0 = arith.constant 0 : i32
    %c0_i32_1 = arith.constant 0 : i32
    return %c0_i32, %c0_i32_0 : i32, i32
  }
  func.func @transform_4(%arg0: i32) -> (i32, i32) {
    %c0_i32 = arith.constant 0 : i32
    %c0_i32_0 = arith.constant 0 : i32
    %c0_i32_1 = arith.constant 0 : i32
    return %c0_i32, %c0_i32_0 : i32, i32
  }
  func.func @transform_5(%arg0: i32) -> (i32, i32) {
    %c0_i32 = arith.constant 0 : i32
    %c0_i32_0 = arith.constant 0 : i32
    %c0_i32_1 = arith.constant 0 : i32
    return %c0_i32, %c0_i32_0 : i32, i32
  }
  func.func @transform_6(%arg0: i32) -> (i32, i32, i32) {
    %c0_i32 = arith.constant 0 : i32
    %c0_i32_0 = arith.constant 0 : i32
    %c0_i32_1 = arith.constant 0 : i32
    return %arg0, %c0_i32, %c0_i32_0 : i32, i32, i32
  }
  func.func @transform_7(%arg0: i32) -> (i32, i32, i32) {
    %c0_i32 = arith.constant 0 : i32
    %c0_i32_0 = arith.constant 0 : i32
    %c0_i32_1 = arith.constant 0 : i32
    return %arg0, %c0_i32, %c0_i32_0 : i32, i32, i32
  }
}

module attributes {stable_mosaic.version = 14 : i64} {
  func.func @_router_body(%arg0: memref<16x512xf32, #tpu.memory_space<vmem>>, %arg1: memref<512x128xf32, #tpu.memory_space<vmem>>, %arg2: memref<1x128xf32, #tpu.memory_space<vmem>>, %arg3: memref<128x32xf32, #tpu.memory_space<vmem>>, %arg4: memref<1x32xf32, #tpu.memory_space<vmem>>, %arg5: memref<32x3xf32, #tpu.memory_space<vmem>>, %arg6: memref<1x3xf32, #tpu.memory_space<vmem>>, %arg7: memref<16x3xf32, #tpu.memory_space<vmem>>, %arg8: memref<3x16xf32, #tpu.memory_space<vmem>>) attributes {dimension_semantics = [], scalar_prefetch = 0 : i64, scratch_operands = 0 : i64, tpu.core_type = #tpu.core_type<tc>} {
    %get3A = arith.constant 0 : index
    %get3A_0 = arith.constant 0 : index
    %get3A_1 = vector.load %arg0[%get3A, %get3A_0] : memref<16x512xf32, #tpu.memory_space<vmem>>, vector<16x512xf32>
    %get3A_2 = arith.constant 0 : index
    %get3A_3 = arith.constant 0 : index
    %get3A_4 = vector.load %arg1[%get3A_2, %get3A_3] : memref<512x128xf32, #tpu.memory_space<vmem>>, vector<512x128xf32>
    %dot_general3A = arith.constant dense<0.000000e+00> : vector<16x128xf32>
    %dot_general3A_5 = tpu.matmul %get3A_1, %get3A_4, %dot_general3A {dimension_numbers = #tpu.dot_dimension_numbers<[1], [0], [0], [1], [0, 0, 1, 1], [], []>, transpose_lhs_hint = false} : vector<16x512xf32>, vector<512x128xf32>, vector<16x128xf32> -> vector<16x128xf32>
    %get3A_6 = arith.constant 0 : index
    %get3A_7 = arith.constant 0 : index
    %get3A_8 = vector.load %arg2[%get3A_6, %get3A_7] : memref<1x128xf32, #tpu.memory_space<vmem>>, vector<1x128xf32>
    %add3A = vector.broadcast %get3A_8 : vector<1x128xf32> to vector<16x128xf32>
    %add3A_9 = arith.addf %dot_general3A_5, %add3A : vector<16x128xf32>
    %max3A = arith.constant 0.000000e+00 : f32
    %max3A_10 = vector.broadcast %max3A : f32 to vector<16x128xf32>
    %max3A_11 = arith.maximumf %add3A_9, %max3A_10 : vector<16x128xf32>
    %get3A_12 = arith.constant 0 : index
    %get3A_13 = arith.constant 0 : index
    %get3A_14 = vector.load %arg3[%get3A_12, %get3A_13] : memref<128x32xf32, #tpu.memory_space<vmem>>, vector<128x32xf32>
    %dot_general3A_15 = arith.constant dense<0.000000e+00> : vector<16x32xf32>
    %dot_general3A_16 = tpu.matmul %max3A_11, %get3A_14, %dot_general3A_15 {dimension_numbers = #tpu.dot_dimension_numbers<[1], [0], [0], [1], [0, 0, 1, 1], [], []>, transpose_lhs_hint = false} : vector<16x128xf32>, vector<128x32xf32>, vector<16x32xf32> -> vector<16x32xf32>
    %get3A_17 = arith.constant 0 : index
    %get3A_18 = arith.constant 0 : index
    %get3A_19 = vector.load %arg4[%get3A_17, %get3A_18] : memref<1x32xf32, #tpu.memory_space<vmem>>, vector<1x32xf32>
    %add3A_20 = vector.broadcast %get3A_19 : vector<1x32xf32> to vector<16x32xf32>
    %add3A_21 = arith.addf %dot_general3A_16, %add3A_20 : vector<16x32xf32>
    %max3A_22 = arith.constant 0.000000e+00 : f32
    %max3A_23 = vector.broadcast %max3A_22 : f32 to vector<16x32xf32>
    %max3A_24 = arith.maximumf %add3A_21, %max3A_23 : vector<16x32xf32>
    %get3A_25 = arith.constant 0 : index
    %get3A_26 = arith.constant 0 : index
    %get3A_27 = vector.load %arg5[%get3A_25, %get3A_26] : memref<32x3xf32, #tpu.memory_space<vmem>>, vector<32x3xf32>
    %dot_general3A_28 = arith.constant dense<0.000000e+00> : vector<16x3xf32>
    %dot_general3A_29 = tpu.matmul %max3A_24, %get3A_27, %dot_general3A_28 {dimension_numbers = #tpu.dot_dimension_numbers<[1], [0], [0], [1], [0, 0, 1, 1], [], []>, transpose_lhs_hint = false} : vector<16x32xf32>, vector<32x3xf32>, vector<16x3xf32> -> vector<16x3xf32>
    %get3A_30 = arith.constant 0 : index
    %get3A_31 = arith.constant 0 : index
    %get3A_32 = vector.load %arg6[%get3A_30, %get3A_31] : memref<1x3xf32, #tpu.memory_space<vmem>>, vector<1x3xf32>
    %add3A_33 = vector.broadcast %get3A_32 : vector<1x3xf32> to vector<16x3xf32>
    %add3A_34 = arith.addf %dot_general3A_29, %add3A_33 : vector<16x3xf32>
    %reduce_max3A = arith.constant dense<0xFF800000> : vector<16xf32>
    %reduce_max3A_35 = vector.multi_reduction <maximumf>, %add3A_34, %reduce_max3A [1] : vector<16x3xf32> to vector<16xf32>
    %broadcast_in_dim3A = vector.shape_cast %reduce_max3A_35 : vector<16xf32> to vector<16x1xf32>
    %sub3A = vector.broadcast %broadcast_in_dim3A : vector<16x1xf32> to vector<16x3xf32>
    %sub3A_36 = arith.subf %add3A_34, %sub3A : vector<16x3xf32>
    %exp3A = math.exp %sub3A_36 : vector<16x3xf32>
    %reduce_sum3A = arith.constant dense<0.000000e+00> : vector<16xf32>
    %reduce_sum3A_37 = vector.multi_reduction <add>, %exp3A, %reduce_sum3A [1] : vector<16x3xf32> to vector<16xf32>
    %broadcast_in_dim3A_38 = vector.shape_cast %reduce_sum3A_37 : vector<16xf32> to vector<16x1xf32>
    %div3A = vector.broadcast %broadcast_in_dim3A_38 : vector<16x1xf32> to vector<16x3xf32>
    %div3A_39 = arith.divf %exp3A, %div3A : vector<16x3xf32>
    %swap3A = arith.constant 0 : index
    %swap3A_40 = arith.constant 0 : index
    %swap3A_41 = vector.load %arg7[%swap3A, %swap3A_40] : memref<16x3xf32, #tpu.memory_space<vmem>>, vector<16x3xf32>
    tpu.vector_store %arg7[%swap3A, %swap3A_40], %div3A_39 {strides = array<i32>} : memref<16x3xf32, #tpu.memory_space<vmem>>, vector<16x3xf32>,
    %transpose3A = tpu.transpose %add3A_34, [1, 0] : vector<16x3xf32> -> vector<3x16xf32>
    %swap3A_42 = arith.constant 0 : index
    %swap3A_43 = arith.constant 0 : index
    %swap3A_44 = vector.load %arg8[%swap3A_42, %swap3A_43] : memref<3x16xf32, #tpu.memory_space<vmem>>, vector<3x16xf32>
    tpu.vector_store %arg8[%swap3A_42, %swap3A_43], %transpose3A {strides = array<i32>} : memref<3x16xf32, #tpu.memory_space<vmem>>, vector<3x16xf32>,
    return
  }
}

module attributes {stable_mosaic.version = 14 : i64} {
  func.func @_expert_body(%arg0: i32, %arg1: memref<16x768xf32, #tpu.memory_space<vmem>>, %arg2: memref<3x16xf32, #tpu.memory_space<vmem>>, %arg3: memref<2304x1152xf32, #tpu.memory_space<vmem>>, %arg4: memref<2304x400xf32, #tpu.memory_space<vmem>>, %arg5: memref<16x1152xf32, #tpu.memory_space<vmem>>, %arg6: memref<16x400xf32, #tpu.memory_space<vmem>>, %arg7: memref<16x2304xf32, #tpu.memory_space<vmem>>) attributes {dimension_semantics = [#tpu.dimension_semantics<arbitrary>], iteration_bounds = array<i64: 8>, scalar_prefetch = 0 : i64, scratch_operands = 1 : i64, tpu.core_type = #tpu.core_type<tc>, window_params = [{pipeline_mode = #tpu.pipeline_mode<synchronous>, transform_indices = @transform_0, window_bounds = array<i64: 16, 768>}, {pipeline_mode = #tpu.pipeline_mode<synchronous>, transform_indices = @transform_1, window_bounds = array<i64: 3, 16>}, {transform_indices = @transform_2, window_bounds = array<i64: 2304, 1152>}, {pipeline_mode = #tpu.pipeline_mode<synchronous>, transform_indices = @transform_3, window_bounds = array<i64: 2304, 400>}, {transform_indices = @transform_4, window_bounds = array<i64: 16, 1152>}, {pipeline_mode = #tpu.pipeline_mode<synchronous>, transform_indices = @transform_5, window_bounds = array<i64: 16, 400>}]} {
    %eq3A = arith.constant 0 : i32
    %eq3A_0 = arith.cmpi eq, %arg0, %eq3A : i32
    %convert_element_type3A = arith.extui %eq3A_0 : i1 to i32
    %cond3A = arith.constant 0 : i32
    %cond3A_1 = arith.cmpi ne, %convert_element_type3A, %cond3A : i32
    scf.if %cond3A_1 {
      %get3A_15 = arith.constant 0 : index
      %get3A_16 = arith.constant 0 : index
      %get3A_17 = vector.load %arg1[%get3A_15, %get3A_16] : memref<16x768xf32, #tpu.memory_space<vmem>>, vector<16x768xf32>
      %iota3A = tpu.iota {dimensions = array<i32: 0>} : vector<16x16xi32>
      %iota3A_18 = tpu.iota {dimensions = array<i32: 1>} : vector<16x16xi32>
      %eq3A_19 = arith.cmpi eq, %iota3A, %iota3A_18 : vector<16x16xi32>
      %convert_element_type3A_20 = arith.extui %eq3A_19 : vector<16x16xi1> to vector<16x16xi32>
      %convert_element_type3A_21 = arith.sitofp %convert_element_type3A_20 : vector<16x16xi32> to vector<16x16xf32>
      %get3A_22 = arith.constant 0 : index
      %get3A_23 = arith.constant 0 : index
      %get3A_24 = vector.load %arg2[%get3A_22, %get3A_23] : memref<3x16xf32, #tpu.memory_space<vmem>>, vector<1x16xf32>
      %mul3A = vector.broadcast %get3A_24 : vector<1x16xf32> to vector<16x16xf32>
      %mul3A_25 = arith.mulf %convert_element_type3A_21, %mul3A : vector<16x16xf32>
      %dot_general3A_26 = arith.constant dense<0.000000e+00> : vector<16x768xf32>
      %dot_general3A_27 = tpu.matmul %mul3A_25, %get3A_17, %dot_general3A_26 {dimension_numbers = #tpu.dot_dimension_numbers<[1], [0], [0], [1], [0, 0, 1, 1], [], []>, transpose_lhs_hint = false} : vector<16x16xf32>, vector<16x768xf32>, vector<16x768xf32> -> vector<16x768xf32>
      %swap3A_28 = arith.constant 0 : index
      %swap3A_29 = arith.constant 0 : index
      %swap3A_30 = vector.load %arg7[%swap3A_28, %swap3A_29] : memref<16x2304xf32, #tpu.memory_space<vmem>>, vector<16x768xf32>
      tpu.vector_store %arg7[%swap3A_28, %swap3A_29], %dot_general3A_27 {strides = array<i32>} : memref<16x2304xf32, #tpu.memory_space<vmem>>, vector<16x768xf32>,
      %get3A_31 = arith.constant 1 : index
      %get3A_32 = arith.constant 0 : index
      %get3A_33 = vector.load %arg2[%get3A_31, %get3A_32] : memref<3x16xf32, #tpu.memory_space<vmem>>, vector<1x16xf32>
      %mul3A_34 = vector.broadcast %get3A_33 : vector<1x16xf32> to vector<16x16xf32>
      %mul3A_35 = arith.mulf %convert_element_type3A_21, %mul3A_34 : vector<16x16xf32>
      %dot_general3A_36 = arith.constant dense<0.000000e+00> : vector<16x768xf32>
      %dot_general3A_37 = tpu.matmul %mul3A_35, %get3A_17, %dot_general3A_36 {dimension_numbers = #tpu.dot_dimension_numbers<[1], [0], [0], [1], [0, 0, 1, 1], [], []>, transpose_lhs_hint = false} : vector<16x16xf32>, vector<16x768xf32>, vector<16x768xf32> -> vector<16x768xf32>
      %swap3A_38 = arith.constant 0 : index
      %swap3A_39 = arith.constant 768 : index
      %swap3A_40 = vector.load %arg7[%swap3A_38, %swap3A_39] : memref<16x2304xf32, #tpu.memory_space<vmem>>, vector<16x768xf32>
      tpu.vector_store %arg7[%swap3A_38, %swap3A_39], %dot_general3A_37 {strides = array<i32>} : memref<16x2304xf32, #tpu.memory_space<vmem>>, vector<16x768xf32>,
      %get3A_41 = arith.constant 2 : index
      %get3A_42 = arith.constant 0 : index
      %get3A_43 = vector.load %arg2[%get3A_41, %get3A_42] : memref<3x16xf32, #tpu.memory_space<vmem>>, vector<1x16xf32>
      %mul3A_44 = vector.broadcast %get3A_43 : vector<1x16xf32> to vector<16x16xf32>
      %mul3A_45 = arith.mulf %convert_element_type3A_21, %mul3A_44 : vector<16x16xf32>
      %dot_general3A_46 = arith.constant dense<0.000000e+00> : vector<16x768xf32>
      %dot_general3A_47 = tpu.matmul %mul3A_45, %get3A_17, %dot_general3A_46 {dimension_numbers = #tpu.dot_dimension_numbers<[1], [0], [0], [1], [0, 0, 1, 1], [], []>, transpose_lhs_hint = false} : vector<16x16xf32>, vector<16x768xf32>, vector<16x768xf32> -> vector<16x768xf32>
      %swap3A_48 = arith.constant 0 : index
      %swap3A_49 = arith.constant 1536 : index
      %swap3A_50 = vector.load %arg7[%swap3A_48, %swap3A_49] : memref<16x2304xf32, #tpu.memory_space<vmem>>, vector<16x768xf32>
      tpu.vector_store %arg7[%swap3A_48, %swap3A_49], %dot_general3A_47 {strides = array<i32>} : memref<16x2304xf32, #tpu.memory_space<vmem>>, vector<16x768xf32>,
    } else {
    }
    %get3A = arith.constant 0 : index
    %get3A_2 = arith.constant 0 : index
    %get3A_3 = vector.load %arg7[%get3A, %get3A_2] : memref<16x2304xf32, #tpu.memory_space<vmem>>, vector<16x2304xf32>
    %get3A_4 = arith.constant 0 : index
    %get3A_5 = arith.constant 0 : index
    %get3A_6 = vector.load %arg3[%get3A_4, %get3A_5] : memref<2304x1152xf32, #tpu.memory_space<vmem>>, vector<2304x1152xf32>
    %dot_general3A = arith.constant dense<0.000000e+00> : vector<16x1152xf32>
    %dot_general3A_7 = tpu.matmul %get3A_3, %get3A_6, %dot_general3A {dimension_numbers = #tpu.dot_dimension_numbers<[1], [0], [0], [1], [0, 0, 1, 1], [], []>, transpose_lhs_hint = false} : vector<16x2304xf32>, vector<2304x1152xf32>, vector<16x1152xf32> -> vector<16x1152xf32>
    %swap3A = arith.constant 0 : index
    %swap3A_8 = arith.constant 0 : index
    %swap3A_9 = vector.load %arg5[%swap3A, %swap3A_8] : memref<16x1152xf32, #tpu.memory_space<vmem>>, vector<16x1152xf32>
    tpu.vector_store %arg5[%swap3A, %swap3A_8], %dot_general3A_7 {strides = array<i32>} : memref<16x1152xf32, #tpu.memory_space<vmem>>, vector<16x1152xf32>,
    %eq3A_10 = arith.constant 7 : i32
    %eq3A_11 = arith.cmpi eq, %arg0, %eq3A_10 : i32
    %convert_element_type3A_12 = arith.extui %eq3A_11 : i1 to i32
    %cond3A_13 = arith.constant 0 : i32
    %cond3A_14 = arith.cmpi ne, %convert_element_type3A_12, %cond3A_13 : i32
    scf.if %cond3A_14 {
      %get3A_15 = arith.constant 0 : index
      %get3A_16 = arith.constant 0 : index
      %get3A_17 = vector.load %arg4[%get3A_15, %get3A_16] : memref<2304x400xf32, #tpu.memory_space<vmem>>, vector<2304x400xf32>
      %dot_general3A_18 = arith.constant dense<0.000000e+00> : vector<16x400xf32>
      %dot_general3A_19 = tpu.matmul %get3A_3, %get3A_17, %dot_general3A_18 {dimension_numbers = #tpu.dot_dimension_numbers<[1], [0], [0], [1], [0, 0, 1, 1], [], []>, transpose_lhs_hint = false} : vector<16x2304xf32>, vector<2304x400xf32>, vector<16x400xf32> -> vector<16x400xf32>
      %logistic3A = arith.negf %dot_general3A_19 : vector<16x400xf32>
      %logistic3A_20 = math.exp %logistic3A : vector<16x400xf32>
      %logistic3A_21 = arith.constant 1.000000e+00 : f32
      %logistic3A_22 = vector.broadcast %logistic3A_21 : f32 to vector<16x400xf32>
      %logistic3A_23 = arith.addf %logistic3A_22, %logistic3A_20 : vector<16x400xf32>
      %logistic3A_24 = arith.divf %logistic3A_22, %logistic3A_23 : vector<16x400xf32>
      %swap3A_25 = arith.constant 0 : index
      %swap3A_26 = arith.constant 0 : index
      %swap3A_27 = vector.load %arg6[%swap3A_25, %swap3A_26] : memref<16x400xf32, #tpu.memory_space<vmem>>, vector<16x400xf32>
      tpu.vector_store %arg6[%swap3A_25, %swap3A_26], %logistic3A_24 {strides = array<i32>} : memref<16x400xf32, #tpu.memory_space<vmem>>, vector<16x400xf32>,
    } else {
    }
    return
  }
  func.func @transform_0(%arg0: i32) -> (i32, i32) {
    %c0_i32 = arith.constant 0 : i32
    %c0_i32_0 = arith.constant 0 : i32
    %c0_i32_1 = arith.constant 0 : i32
    return %c0_i32, %c0_i32_0 : i32, i32
  }
  func.func @transform_1(%arg0: i32) -> (i32, i32) {
    %c0_i32 = arith.constant 0 : i32
    %c0_i32_0 = arith.constant 0 : i32
    %c0_i32_1 = arith.constant 0 : i32
    return %c0_i32, %c0_i32_0 : i32, i32
  }
  func.func @transform_2(%arg0: i32) -> (i32, i32) {
    %c0_i32 = arith.constant 0 : i32
    %c0_i32_0 = arith.constant 0 : i32
    return %c0_i32, %arg0 : i32, i32
  }
  func.func @transform_3(%arg0: i32) -> (i32, i32) {
    %c0_i32 = arith.constant 0 : i32
    %c0_i32_0 = arith.constant 0 : i32
    %c0_i32_1 = arith.constant 0 : i32
    return %c0_i32, %c0_i32_0 : i32, i32
  }
  func.func @transform_4(%arg0: i32) -> (i32, i32) {
    %c0_i32 = arith.constant 0 : i32
    %c0_i32_0 = arith.constant 0 : i32
    return %c0_i32, %arg0 : i32, i32
  }
  func.func @transform_5(%arg0: i32) -> (i32, i32) {
    %c0_i32 = arith.constant 0 : i32
    %c0_i32_0 = arith.constant 0 : i32
    %c0_i32_1 = arith.constant 0 : i32
    return %c0_i32, %c0_i32_0 : i32, i32
  }
}

</mosaic_0001>

<sc_bundles>
// kernel: kernel.6.cloned.1.call-start
scs
__scs_entry_jumppad:
0x0: {  	(pc) =	sbr.rel $0x88, $3  }
0x1: {  	(tag) =	ssettag $0x0;
	lr =	simm.s32 $0x1  }
0x2: {  	[smem:$0x3F96] =	sst lr;
	_ =	strace $0xD0000000  }
0x3: {  	_ = 	snop  }
0x4: {  	_ = 	snop  }
0x5: {  	_ = 	snop  }
0x6: {  	_ = 	snop  }
0x7: {  	_ = 	snop  }
__scs_overlays_trampoline_lowered:
0x8: {  	[smem:$0x3FA5] =	sst s0  }
0x9: {  	[smem:$0x3FA6] =	sst s1  }
0xa: {  	[smem:$0x3FA7] =	sst s2  }
0xb: {  	[smem:$0x3FA8] =	sst s3  }
0xc: {  	[smem:$0x3FA9] =	sst s4  }
0xd: {  	[smem:$0x3FAA] =	sst s5  }
0xe: {  	[smem:$0x3FAB] =	sst s6  }
0xf: {  	[smem:$0x3FAC] =	sst s7  }
0x10: {  	[smem:$0x3FAD] =	sst s8  }
0x11: {  	[smem:$0x3FAE] =	sst s9;
	s0 =	simm.s32 @!p0 $0x0  }
0x12: {  	s1 =	sld [smem:$0x3F94];
	s0 =	simm.s32 @p0 $0x1  }
0x13: {  	[smem:$0x3FAF] =	sst s0;
	s0 =	simm.s32 @!p1 $0x0  }
0x14: {  	s2 =	sld [smem:$0x3F93];
	s0 =	simm.s32 @p1 $0x1  }
0x15: {  	[smem:$0x3FB0] =	sst s0;
	s0 =	simm.s32 @!p2 $0x0  }
0x16: {  	s3 =	sld [smem:$0x3FDB];
	s0 =	simm.s32 @p2 $0x1  }
0x17: {  	s4 =	simm.s32 $0x1BF5;
	[smem:$0x3FB2] =	sst s0  }
0x18: {  	s0 =	sld [smem:$0x3F95];
	_ =	swait.ge [sflag:s4], $0x0  }
0x19: {  	s7 =	sld [smem:$0x3F96]  }
0x1a: {  	s8 =	sadd.s32 $0xFFFFE003, lr  }
0x1b: {  	s9 =	sadd.s32 $0xFFFFFEF7, lr;
	s5 =	simm.s32 $0xFFFFFFFF;
	p2 =	slt.u32 s8, $0xFFFFF086  }
0x1c: {  	p1 =	slt.u32 s9, $0xF7A;
	s5 =	simm.s32 @!p2 $0x0  }
0x1d: {  	s5 =	simm.s32 @p1 $0x1;
	p0 =	seq.s32 s7, s2  }
0x1e: {  	s7 =	smul.u32 @!p0 $0xF7A, s2;
	p2 =	seq.s32 @!p0 s5, $0x0  }
0x1f: {  	s9 =	smul.u32 $0xF7A, s1;
	s8 =	simm.s32 @!p0 $0x1BF5;
	p2 =	por !p2, p0  }
0x20: {  	[sflag:s8] =	ssyncset.s32 @!p0 $0xFFFFF086;
	s6 =	sadd.s32 @!p0 s3, s7;
	s7 =	simm.s32 @!p0 $0x108  }
0x21: {  	s3 =	sadd.s32 s3, s9;
	s6 =	sadd.s32 @!p0 $0x88, s6;
	s7 =	simm.s32 @p2 $0x1082  }
0x22: {  	[simem:s7], [sflag:s8] =	dma.local @!p0 [hbm:s6], $0xF7A  }
0x23: {  	s9 =	sor.u32 $0xD0000000, s2;
	s6 =	simm.s32 $0x108;
	_ =	swait.ge @!p0 [sflag:s8], $0x0  }
0x24: {  	s3 =	sadd.s32 $0x88, s3;
	s6 =	simm.s32 @!p1 $0x1082;
	[sflag:s4] =	ssyncset.s32 $0xFFFFF086  }
0x25: {  	[simem:s6], [sflag:s4] =	dma.local [hbm:s3], $0xF7A  }
0x26: {  	[smem:$0x3F96] =	sst s1;
	(tag) =	ssettag s2;
	_ =	strace s9  }
0x27: {  	s1 =	sld [smem:$0x3FA6]  }
0x28: {  	s2 =	sld [smem:$0x3FA7]  }
0x29: {  	s4 =	sld [smem:$0x3FA9]  }
0x2a: {  	p0 =	seq.s32 s5, $0x0;
	s5 =	sld [smem:$0x3FAA]  }
0x2b: {  	s6 =	sld [smem:$0x3FAB]  }
0x2c: {  	s7 =	sld [smem:$0x3FAC]  }
0x2d: {  	s3 =	simm.s32 $0x108;
	s8 =	sld [smem:$0x3FAD]  }
0x2e: {  	s3 =	simm.s32 @!p0 $0x1082;
	s9 =	sld [smem:$0x3FAE]  }
0x2f: {  	lr =	sadd.s32 s0, s3;
	s0 =	sld [smem:$0x3FA5]  }
0x30: {  	s3 =	sld [smem:$0x3FA8]  }
0x31: {  	[smem:$0x3FB1] =	sst s10  }
0x32: {  	s10 =	sld [smem:$0x3FAF];
	_ =	sdelay $0x3  }
0x33: {  	p0 =	seq.s32 s10, $0x1;
	s10 =	sld [smem:$0x3FB1];
	_ =	sdelay $0x3  }
0x34: {  	[smem:$0x3FB1] =	sst s10  }
0x35: {  	s10 =	sld [smem:$0x3FB0];
	_ =	sdelay $0x3  }
0x36: {  	p1 =	seq.s32 s10, $0x1;
	s10 =	sld [smem:$0x3FB1];
	_ =	sdelay $0x3  }
0x37: {  	[smem:$0x3FB1] =	sst s10  }
0x38: {  	s10 =	sld [smem:$0x3FB2]  }
0x39: {  	_ = 	snop;
	(pc) =	sbr.ind lr, $3  }
0x3a: {  	_ = 	snop  }
0x3b: {  	_ = 	snop  }
0x3c: {  	p2 =	seq.s32 s10, $0x1;
	s10 =	sld [smem:$0x3FB1]  }
0x3d: {  	_ =	shalt  }
0x3e: {  	_ =	shalt  }
0x3f: {  	_ =	shalt  }
0x40: {  	_ =	shalt  }
0x41: {  	_ =	shalt  }
0x42: {  	_ =	shalt  }
0x43: {  	_ =	shalt  }
0x44: {  	_ =	shalt  }
0x45: {  	_ =	shalt  }
0x46: {  	_ =	shalt  }
0x47: {  	_ =	shalt  }
0x48: {  	_ =	shalt  }
0x49: {  	_ =	shalt  }
0x4a: {  	_ =	shalt  }
0x4b: {  	_ =	shalt  }
0x4c: {  	_ =	shalt  }
0x4d: {  	_ =	shalt  }
0x4e: {  	_ =	shalt  }
0x4f: {  	_ =	shalt  }
0x50: {  	_ =	shalt  }
0x51: {  	_ =	shalt  }
0x52: {  	_ =	shalt  }
0x53: {  	_ =	shalt  }
0x54: {  	_ =	shalt  }
0x55: {  	_ =	shalt  }
0x56: {  	_ =	shalt  }
0x57: {  	_ =	shalt  }
0x58: {  	_ =	shalt  }
0x59: {  	_ =	shalt  }
0x5a: {  	_ =	shalt  }
0x5b: {  	_ =	shalt  }
0x5c: {  	_ =	shalt  }
0x5d: {  	_ =	shalt  }
0x5e: {  	_ =	shalt  }
0x5f: {  	_ =	shalt  }
0x60: {  	_ =	shalt  }
0x61: {  	_ =	shalt  }
0x62: {  	_ =	shalt  }
0x63: {  	_ =	shalt  }
0x64: {  	_ =	shalt  }
0x65: {  	_ =	shalt  }
0x66: {  	_ =	shalt  }
0x67: {  	_ =	shalt  }
0x68: {  	_ =	shalt  }
0x69: {  	_ =	shalt  }
0x6a: {  	_ =	shalt  }
0x6b: {  	_ =	shalt  }
0x6c: {  	_ =	shalt  }
0x6d: {  	_ =	shalt  }
0x6e: {  	_ =	shalt  }
0x6f: {  	_ =	shalt  }
0x70: {  	_ =	shalt  }
0x71: {  	_ =	shalt  }
0x72: {  	_ =	shalt  }
0x73: {  	_ =	shalt  }
0x74: {  	_ =	shalt  }
0x75: {  	_ =	shalt  }
0x76: {  	_ =	shalt  }
0x77: {  	_ =	shalt  }
0x78: {  	_ =	shalt  }
0x79: {  	_ =	shalt  }
0x7a: {  	_ =	shalt  }
0x7b: {  	_ =	shalt  }
0x7c: {  	_ =	shalt  }
0x7d: {  	_ =	shalt  }
0x7e: {  	_ =	shalt  }
0x7f: {  	_ =	shalt  }
0x80: {  	_ =	shalt  }
0x81: {  	_ =	shalt  }
0x82: {  	_ =	shalt  }
0x83: {  	_ =	shalt  }
0x84: {  	_ =	shalt  }
0x85: {  	_ =	shalt  }
0x86: {  	_ =	shalt  }
0x87: {  	_ =	shalt  }
.Lfunc_end0:
.L_simem_size_0:
called_computation_lowered:
.L_overlay_start_0:
0x88: {  	s2 =	sld [smem:$0x3FD9]  }
0x89: {  	s3 =	sld [smem:$0x3FFE];
	_ =	sdelay $0x1  }
0x8a: {  	s1 =	srdreg.scid  }
0x8b: {  	s0 =	sand.u32 $0x1, s1  }
0x8c: {  	s15 =	sshll.u32 s0, $0xA;
	s2 =	sadd.s32 s3, s2  }
0x8d: {  	s2 =	sadd.s32 s2, s15  }
0x8e: {  	[smem:$0x3FBD] =	sst s2  }
0x8f: {  	_ = 	snop  }
0x90: {  	s2 =	sld [smem:$0x3FD0];
	_ =	sdelay $0x2  }
0x91: {  	s16 =	simm.s32 $0xA;
	s4 =	simm.s32 $0x10  }
0x92: {  	[smem:s4], [sflag:s16] =	dma.local [hbm:s2], $0x1  }
0x93: {  	_ =	swait.eq [sflag:s16], $0x1  }
0x94: {  	s17 =	sld [smem:$0x10];
	[sflag:s16] =	ssyncset.done $0x0  }
0x95: {  	s18 =	sld [smem:$0x11];
	[sflag:s16] =	ssyncadd.s32 $0xFFFFFFFF  }
0x96: {  	s19 =	sld [smem:$0x13];
	(tm) =	ssettm $0x1  }
0x97: {  	s5 =	sld [smem:$0x3FFB];
	_ =	sdelay $0x3  }
0x98: {  	_ =	strace s5  }
0x99: {  	s5 =	sld [smem:$0x3FFC];
	_ =	sdelay $0x3  }
0x9a: {  	_ =	strace s5  }
0x9b: {  	s5 =	sld [smem:$0x3FFD];
	_ =	sdelay $0x3  }
0x9c: {  	_ =	strace s5  }
0x9d: {  	_ =	strace $0x8FFFFFFF  }
0x9e: {  	s20 =	sld [smem:$0x3FDB];
	_ =	sdelay $0x1  }
0x9f: {  	s6 =	simm.s32 $_scs_section_size  }
0xa0: {  	s7 =	simm.s32 $_size__tile_overlayer_lowered;
	s8 =	simm.s32 $_tile_overlayer_lowered  }
0xa1: {  	s23 =	simm.s32 $0x1BFF;
	s22 =	sshll.u32 s8, $0x1;
	s5 =	sadd.s32 s6, s20  }
0xa2: {  	s9 =	simm.s32 $0x0;
	s21 =	sshll.u32 s7, $0x1;
	s7 =	sadd.s32 s22, s5  }
0xa3: {  	[timem:s9], [sflag:s23] =	dma.local [hbm:s7], s21  }
0xa4: {  	_ =	swait.ge [sflag:s23], s21  }
0xa5: {  	s6 =	ssub.s32 $0x0, s21;
	[sflag:s23] =	ssyncset.done $0x0  }
0xa6: {  	[sflag:s23] =	ssyncadd.s32 s6;
	_ =	sdelay $0x1  }
0xa7: {  	s24 =	simm.s32 $0x1B8B  }
0xa8: {  	_ =	swait.ge [sflag:s24], $0x1  }
0xa9: {  	[sflag:s24] =	ssyncset.done $0x0  }
0xaa: {  	s25 =	simm.s32 $0x1B8E;
	[sflag:s24] =	ssyncadd.s32 $0xFFFFFFFF  }
0xab: {  	s26 =	simm.s32 $execute0_lowered;
	[smem:$0x3FD2] =	sst s25  }
0xac: {  	s6 =	sshll.u32 s26, $0x1;
	_ =	strace $0x80000046;
	[dreg:$0x1] =	wrdreg $0xFFFFFFFF  }
0xad: {  	s28 =	simm.s32 $_size_execute0_lowered;
	s5 =	sadd.s32 s5, s6;
	[dreg:$0x0] =	wrdreg $0x0  }
0xae: {  	s6 =	sshll.u32 s28, $0x1;
	[dreg:$0x2] =	wrdreg s5  }
0xaf: {  	[dreg:$0x3] =	wrdreg s6  }
0xb0: {  	[dreg:$0x4] =	wrdreg $0xC0  }
0xb1: {  	_ =	task [dreg:s9], $0x5FFFF  }
0xb2: {  	[dreg:$0x1] =	wrdreg $0xFFFFFFFF  }
0xb3: {  	[dreg:$0x0] =	wrdreg $0x60  }
0xb4: {  	[dreg:$0x2] =	wrdreg s18  }
0xb5: {  	[dreg:$0x3] =	wrdreg s19  }
0xb6: {  	[dreg:$0x4] =	wrdreg s17  }
0xb7: {  	[dreg:$0x5] =	wrdreg $0x9  }
0xb8: {  	_ =	task.clear_ibuf [dreg:s9], $0x6FFFF;
	_ =	strace $0x90000046  }
0xb9: {  	s29 =	simm.s32 $0x9;
	_ =	strace $0x80000048  }
0xba: {  	_ =	swait.ge [sflag:s29], $0x1  }
0xbb: {  	[sflag:s29] =	ssyncadd.s32 $0xFFFFFFFF  }
0xbc: {  	_ =	strace $0x90000048  }
0xbd: {  	_ =	sfence  }
0xbe: {  	s30 =	sld [smem:$0x0];
	_ =	sdelay $0x2  }
0xbf: {  	s31 =	sshll.u32 s1, $0xD;
	s1 =	sshrl.u32 s1, $0x2  }
0xc0: {  	s3 =	sand.u32 $0x4000, s31;
	s1 =	sadd.s32 s1, s30  }
0xc1: {  	s0 =	sor.u32 s3, s0;
	s1 =	sshll.u32 s1, $0x11  }
0xc2: {  	s0 =	sor.u32 s1, s0  }
0xc3: {  	s0 =	sadd.s32 $0x8F2B, s0  }
0xc4: {  	[sflag:s0] =	ssyncadd.remote.s32 $0x1  }
0xc5: {  	_ =	sfence.sel $0xFFFF  }
0xc6: {  	[dreg:$0x0] =	wrdreg $0xFFFFFFFF;
	(pc) =	sbr.abs _section_cstart, $3  }
0xc7: {  	[dreg:$0x1] =	wrdreg $0xFFFFFFFF  }
0xc8: {  	_ =	task.clear_ibuf [dreg:s9], $0x2FFFF;
	_ =	strace $0x9FFFFFFF  }
0xc9: {  	(tm) =	ssettm $0x7FFFFFFF  }
tec
execute0_lowered:
.L_overlay_start_1:
0x0: {  	(tag) =	ssettag $0x1  }
0x1: {  	s0 =	srdreg.scid  }
0x2: {  	s7 =	sand.u32 $0x1, s0;
	s0 =	stileid.u32  }
0x3: {  	s5 =	sshll.u32 s0, $0x1;
	s6 =	ssub.s32 $0x0, s7  }
0x4: {  	p0 =	sne.s32 s5, s6  }
.Ltmp0:
0x5: {  	_ = 	snop;
	(pc) =	sbr.rel @p0 .LBB2_4-.Ltmp0, $4  }
0x6: {  	s2 =	rddreg [dreg:$0x0]  }
0x7: {  	s3 =	rddreg [dreg:$0x1]  }
0x8: {  	s4 =	rddreg [dreg:$0x2]  }
0x9: {  	s1 =	rddreg [dreg:$0x3];
	_ =	strace $0x80000047  }
0xa: {  	s6 =	simm.s32 $0x0;
	s5 =	simm.s32 $0x1  }
0xb: {  	[tilespmem:s6], [sflag:$0x1] =	stream.linear.gather [hbm4b:s2+s6], $0x180, $0x38;
	[tilespmem:$0x480] =	vst v63  }
0xc: {  	_ =	swait.ge [sflag:s5], $0x180  }
0xd: {  	[sflag:s5] =	ssyncset.done $0x0  }
0xe: {  	[sflag:s5] =	ssyncadd.s32 $0xFFFFFE80  }
0xf: {  	v1 =	vld [tilespmem:$0x0]  }
0x10: {  	v2 =	vld [tilespmem:$0x80];
	_ =	sdelay $0x2  }
0x11: {  	v3 =	vld [tilespmem:$0x100];
	_ =	sdelay $0x1  }
0x12: {  	vm0 =	vge.f32 v1, v2  }
0x13: {  	vm0 =	vmneg vm0  }
0x14: {  	v0 =	vimm.s32 $0x0;
	v1 =	vsel vm0, v2, v1  }
0x15: {  	v2 =	vsel vm0, $0x1, v0;
	vm1 =	vge.f32 v1, v3  }
0x16: {  	s8 =	ssub.s32 $0x2, s7;
	v1 =	vimm.f32 $0.0e+00;
	v2 =	vnsel vm1, $0x2, v2;
	vm0 =	vmand vm0, vm1  }
0x17: {  	s9 =	sshrl.u32 s8, $0x1;
	[tilespmem:$0x200] =	vst v2;
	v3 =	vsel vm0, $0x3F800000, v1;
	vm15 =	veq.s32 v2, $0x0  }
0x18: {  	s8 =	ssub.s32 s8, s9;
	v2 =	vimm.f32 $1.000000000e+00;
	v4 =	vsel vm15, $0x3F800000, v1;
	[tilespmem:$0x300] =	vst v3  }
0x19: {  	s9 =	smax.u32 s8, $0x1;
	v3 =	vsel vm1, $0x0, v2;
	[tilespmem:$0x280] =	vst v4  }
0x1a: {  	s7 =	simm.s32 $0x200;
	p0 =	sne.s32 s9, $0x1;
	[tilespmem:$0x380] =	vst v3  }
0x1b: {  	[hbm4b:s3+s6] =	stream.linear.scatter [tilespmem:s7], [sflag:$0x1], $0x80, $0x38;
	[tilespmem:$0x480] =	vst v63  }
.Ltmp1:
0x1c: {  	_ = 	snop;
	(pc) =	sbr.rel @!p0 .LBB2_3-.Ltmp1, $4  }
0x1d: {  	_ =	swait.ge [sflag:s5], $0x80  }
0x1e: {  	[sflag:s5] =	ssyncset.done $0x0  }
0x1f: {  	s8 =	simm.s32 $0x280;
	s9 =	sadd.s32 $0xFFFFFFFF, s9;
	[sflag:s5] =	ssyncadd.s32 $0xFFFFFF80  }
0x20: {  	[hbm4b:s4+s6] =	stream.linear.scatter [tilespmem:s8], [sflag:$0x1], $0x180, $0x38;
	[tilespmem:$0x480] =	vst v63  }
.LBB2_2:
0x21: {  	p0 =	sne.s32 s9, $0x1;
	s9 =	sadd.s32 $0xFFFFFFFF, s9;
	_ =	swait.ge [sflag:s5], $0x180  }
0x22: {  	[sflag:s5] =	ssyncset.done $0x0  }
0x23: {  	[sflag:s5] =	ssyncadd.s32 $0xFFFFFE80  }
0x24: {  	[tilespmem:s6], [sflag:$0x1] =	stream.linear.gather [hbm4b:s2+s6], $0x180, $0x38;
	[tilespmem:$0x480] =	vst v63  }
0x25: {  	_ =	swait.ge [sflag:s5], $0x180  }
0x26: {  	[sflag:s5] =	ssyncset.done $0x0  }
0x27: {  	[sflag:s5] =	ssyncadd.s32 $0xFFFFFE80  }
0x28: {  	v3 =	vld [tilespmem:$0x0]  }
0x29: {  	v4 =	vld [tilespmem:$0x80];
	_ =	sdelay $0x2  }
0x2a: {  	v5 =	vld [tilespmem:$0x100];
	_ =	sdelay $0x1  }
0x2b: {  	vm0 =	vge.f32 v3, v4  }
0x2c: {  	vm0 =	vmneg vm0  }
0x2d: {  	v3 =	vsel vm0, v4, v3;
	v4 =	vsel vm0, $0x1, v0  }
0x2e: {  	vm1 =	vge.f32 v3, v5  }
0x2f: {  	v3 =	vnsel vm1, $0x2, v4;
	vm0 =	vmand vm0, vm1;
	v4 =	vsel vm1, $0x0, v2  }
0x30: {  	[tilespmem:$0x200] =	vst v3;
	vm1 =	veq.s32 v3, $0x0;
	v3 =	vsel vm0, $0x3F800000, v1  }
0x31: {  	v5 =	vsel vm1, $0x3F800000, v1;
	[tilespmem:$0x300] =	vst v3  }
0x32: {  	[tilespmem:$0x280] =	vst v5  }
0x33: {  	[tilespmem:$0x380] =	vst v4  }
0x34: {  	[hbm4b:s3+s6] =	stream.linear.scatter [tilespmem:s7], [sflag:$0x1], $0x80, $0x38;
	[tilespmem:$0x480] =	vst v63  }
.Ltmp2:
0x35: {  	_ = 	snop;
	(pc) =	sbr.rel @p0 .LBB2_2-.Ltmp2, $4  }
0x36: {  	_ =	swait.ge [sflag:s5], $0x80  }
0x37: {  	[sflag:s5] =	ssyncset.done $0x0  }
0x38: {  	[sflag:s5] =	ssyncadd.s32 $0xFFFFFF80  }
0x39: {  	[hbm4b:s4+s6] =	stream.linear.scatter [tilespmem:s8], [sflag:$0x1], $0x180, $0x38;
	[tilespmem:$0x480] =	vst v63  }
.LBB2_3:
0x3a: {  	_ =	swait.ge [sflag:s5], $0x180  }
0x3b: {  	[sflag:s5] =	ssyncset.done $0x0  }
0x3c: {  	[sflag:s5] =	ssyncadd.s32 $0xFFFFFE80  }
.LBB2_4:
0x3d: {  	_ =	sfence.sel $0x180000  }
0x3e: {  	[bflag:$0x0] =	sbarrier.arrive $0xFFFF  }
0x3f: {  	p0 =	sne.s32 s0, $0x0;
	_ =	strace $0x90000047  }
0x40: {  	s0 =	sadd.s32 @!p0 $0x100000, s1;
	[bflag:$0x2] =	sbarrier.arrive $0xFFFF  }
0x41: {  	[sflag:s0] =	ssyncadd.tile.s32 @!p0 $0x1;
	_ =	shalt  }
.Lfunc_end2:
_tile_overlayer_lowered:
.L_overlay_start_2:
0x42: {  	(tag) =	ssettag $0x2  }
0x43: {  	s0 =	rddreg [dreg:$0x0];
	s2 =	stileid.u32  }
0x44: {  	s1 =	rddreg [dreg:$0x1];
	p0 =	sne.s32 s2, $0x0  }
0x45: {  	s3 =	rddreg [dreg:$0x2];
	[bflag:$0x3] =	sbarrier.arrive $0xFFFF;
	s2 =	simm.s32 @!p0 $0x1C01  }
0x46: {  	[timem:s3], [sflag:s2] =	dma.local @!p0 [hbm:s0], s1  }
0x47: {  	s0 =	simm.s32 @!p0 $0x1  }
0x48: {  	_ =	swait.ge @!p0 [sflag:s0], s1  }
0x49: {  	s1 =	ssub.s32 @!p0 $0x0, s1;
	[sflag:s0] =	ssyncset.done @!p0 $0x0  }
0x4a: {  	[sflag:s0] =	ssyncadd.s32 @!p0 s1  }
0x4b: {  	[bflag:$0x3] =	sbarrier.arrive $0xFFFF  }
0x4c: {  	_ =	shalt  }

</sc_bundles>
